<compile_context>
chip_gen: v7x
topology: tpu7x:2x2x1
jax: 0.10.2.dev20260603
libtpu: 0.0.44.dev20260713+nightly
codegen_flags: <defaults>
</compile_context>

<pallas_src>
import functools

import jax
import jax.numpy as jnp
from jax import lax
from jax.experimental import pallas as pl
from jax.experimental.pallas import tpu as pltpu
from jax.experimental.pallas import tpu_sc as plsc

_B = 16384
_NUM_CONT = 13
_NUM_CAT = 26
_VOCAB = 100000
_EMBED_DIM = 16
_DIM = 128

_NC = 2
_NS = 16
_NW = _NC * _NS

_TOTAL = _B * _NUM_CAT
_PER_W = _TOTAL // _NW
_CHUNK = 128
_CH_PER_W = _PER_W // _CHUNK
_HALVES = 2
_CH_HALF = _CH_PER_W // _HALVES
_ROWS_HALF = _CH_HALF * _CHUNK


_NROWS = _NUM_CAT * _EMBED_DIM
_GCH = 2048
_NGCH = _B // _GCH


def _sc_gather_group(tables_t, idx_g):
    nrows = tables_t.shape[0]
    rpw = nrows // _NW
    mesh = plsc.VectorSubcoreMesh(
        core_axis_name="c", subcore_axis_name="s",
        num_cores=_NC, num_subcores=_NS)

    @functools.partial(
        pl.kernel,
        out_type=jax.ShapeDtypeStruct((nrows, _B), jnp.float32),
        mesh=mesh,
        scratch_types=[
            pltpu.VMEM((_VOCAB,), jnp.float32),
            pltpu.VMEM((_B // _CHUNK, _CHUNK), jnp.int32),
            pltpu.VMEM((2, _GCH), jnp.float32),
            pltpu.SemaphoreType.DMA,
        ],
        compiler_params=pltpu.CompilerParams(
            use_tc_tiling_on_sc=False, needs_layout_passes=False),
    )
    def gather_kernel(tab_hbm, idx_hbm, out_hbm, row_v, idx_v, out_v, osem):
        wid = lax.axis_index("s") * _NC + lax.axis_index("c")
        r0 = wid * rpw
        drain_src = tab_hbm.at[0, pl.ds(0, _GCH)]

        @pl.loop(0, rpw)
        def _row(j):
            r = r0 + j
            f = r // _EMBED_DIM
            pltpu.sync_copy(tab_hbm.at[r], row_v)
            pltpu.sync_copy(idx_hbm.at[pl.ds(f * 128, _B // _CHUNK)], idx_v)
            for c in range(_NGCH):
                p = c % 2
                if c >= 2:
                    pltpu.make_async_copy(drain_src, out_v.at[p], osem).wait()

                @pl.loop(0, _GCH // _CHUNK)
                def _vec(t):
                    row = c * (_GCH // _CHUNK) + t
                    for s in range(_CHUNK // 16):
                        iv = idx_v[row, pl.ds(s * 16, 16)]
                        out_v[p, pl.ds(t * _CHUNK + s * 16, 16)] = (
                            plsc.load_gather(row_v, [iv]))
                pltpu.async_copy(
                    out_v.at[p], out_hbm.at[r, pl.ds(c * _GCH, _GCH)], osem)
            pltpu.make_async_copy(drain_src, out_v.at[0], osem).wait()
            pltpu.make_async_copy(drain_src, out_v.at[1], osem).wait()

    return gather_kernel(tables_t, idx_g)


_G1 = 16
_G2 = _NUM_CAT - _G1
_K1 = _G1 * _EMBED_DIM
_K2 = _G2 * _EMBED_DIM
_N1 = _G1 * _DIM
_N2 = _G2 * _DIM
_BBLK = 512


def _tc_body(cont_ref, g_ref, w1_ref, b1_ref, lng_ref, lnb_ref, w2_ref,
             wbd1_ref, wbd2_ref, bcont_ref, bcat_ref, out_ref):
    x = cont_ref[...]
    h = jnp.dot(x, w1_ref[...], preferred_element_type=jnp.float32)
    h = h + b1_ref[...]
    mu = jnp.mean(h, axis=-1, keepdims=True)
    d = h - mu
    var = jnp.mean(d * d, axis=-1, keepdims=True)
    h = d * lax.rsqrt(var + 1e-5) * lng_ref[...] + lnb_ref[...]
    h = h * 0.5 * (1.0 + lax.erf(h * 0.7071067811865476))
    out0 = jnp.dot(h, w2_ref[...], preferred_element_type=jnp.float32)
    g = g_ref[...]
    dn = (((0,), (0,)), ((), ()))
    y1 = lax.dot_general(g[:_K1, :], wbd1_ref[...], dn,
                         preferred_element_type=jnp.float32)
    y2 = lax.dot_general(g[_K1:, :], wbd2_ref[...], dn,
                         preferred_element_type=jnp.float32)
    y1 = y1 + bcat_ref[:, :_N1]
    y2 = y2 + bcat_ref[:, _N1:]
    out_ref[0, :, :] = out0 + bcont_ref[...]
    for f in range(_G1):
        out_ref[1 + f, :, :] = y1[:, f * _DIM:(f + 1) * _DIM]
    for f in range(_G2):
        out_ref[1 + _G1 + f, :, :] = y2[:, f * _DIM:(f + 1) * _DIM]


def _tc_fused(continuous, g2d, W1, b1, ln_g, ln_b, W2, Wbd1, Wbd2,
              bias_cont, bias_cat):
    nb = _B // _BBLK
    rep = lambda i: (0, 0)
    return pl.pallas_call(
        _tc_body,
        grid=(nb,),
        in_specs=[
            pl.BlockSpec((_BBLK, _NUM_CONT), lambda i: (i, 0)),
            pl.BlockSpec((_NROWS, _BBLK), lambda i: (0, i)),
            pl.BlockSpec((_NUM_CONT, 2 * _DIM), rep),
            pl.BlockSpec((1, 2 * _DIM), rep),
            pl.BlockSpec((1, 2 * _DIM), rep),
            pl.BlockSpec((1, 2 * _DIM), rep),
            pl.BlockSpec((2 * _DIM, _DIM), rep),
            pl.BlockSpec((_K1, _N1), rep),
            pl.BlockSpec((_K2, _N2), rep),
            pl.BlockSpec((1, _DIM), rep),
            pl.BlockSpec((1, _N1 + _N2), rep),
        ],
        out_specs=pl.BlockSpec((_NUM_CAT + 1, _BBLK, _DIM), lambda i: (0, i, 0)),
        out_shape=jax.ShapeDtypeStruct((_NUM_CAT + 1, _B, _DIM), jnp.float32),
        compiler_params=pltpu.CompilerParams(
            dimension_semantics=("parallel",)),
    )(continuous, g2d, W1, b1.reshape(1, -1), ln_g.reshape(1, -1),
      ln_b.reshape(1, -1), W2, Wbd1, Wbd2, bias_cont, bias_cat)


def _block_diag(Wg):
    nf, E, D = Wg.shape
    eye = jnp.eye(nf, dtype=Wg.dtype)
    return (eye[:, None, :, None] * Wg[:, :, None, :]).reshape(nf * E, nf * D)


def kernel(continuous, categorical, W1, b1, ln_g, ln_b, W2, b2, type_embed,
           cat_tables, cat_proj_W, cat_proj_b):
    idx2d = categorical.astype(jnp.int32).T.reshape(_TOTAL // _CHUNK, _CHUNK)
    tt = jnp.transpose(cat_tables, (0, 2, 1)).reshape(_NROWS, _VOCAB)
    g2d = _sc_gather_group(tt, idx2d)

    Wbd1 = _block_diag(cat_proj_W[:_G1])
    Wbd2 = _block_diag(cat_proj_W[_G1:])
    bias_cat = (cat_proj_b + type_embed[1][None, :]).reshape(1, _NUM_CAT * _DIM)
    bias_cont = (b2 + type_embed[0]).reshape(1, _DIM)

    out3 = _tc_fused(continuous, g2d, W1, b1, ln_g, ln_b, W2, Wbd1, Wbd2,
                     bias_cont, bias_cat)
    return jnp.transpose(out3, (1, 0, 2))

# --- scband reference (transcript-rebuilt; emitter-appended) ---
"""Pipeline reference for scband-feature-embedding-26164940767719 (READ-ONLY COPY).

The authoritative reference and input builder live on the scoring server;
editing this copy changes nothing except your own understanding.
"""

import jax, jax.numpy as jnp
import numpy as np

B = 16384
NUM_CONT = 13
NUM_CAT = 26
VOCAB = 100000
EMBED_DIM = 16
DIM = 128


def _layer_norm(x, g, b, eps=1e-5):
    mu = jnp.mean(x, axis=-1, keepdims=True)
    var = jnp.var(x, axis=-1, keepdims=True)
    return (x - mu) / jnp.sqrt(var + eps) * g + b


def setup_inputs(seed: int = 0) -> dict:
    key = jax.random.key(seed)
    ks = jax.random.split(key, 12)
    continuous = jax.random.normal(ks[0], (B, NUM_CONT), dtype=jnp.float32)
    categorical = jax.random.randint(ks[1], (B, NUM_CAT), 0, VOCAB, dtype=jnp.int64)
    W1 = jax.random.normal(ks[2], (NUM_CONT, DIM * 2), dtype=jnp.float32) * 0.05
    b1 = jnp.zeros((DIM * 2,), dtype=jnp.float32)
    ln_g = jnp.ones((DIM * 2,), dtype=jnp.float32)
    ln_b = jnp.zeros((DIM * 2,), dtype=jnp.float32)
    W2 = jax.random.normal(ks[3], (DIM * 2, DIM), dtype=jnp.float32) * 0.05
    b2 = jnp.zeros((DIM,), dtype=jnp.float32)
    type_embed = jax.random.normal(ks[4], (2, DIM), dtype=jnp.float32) * 0.05
    cat_tables = jax.random.normal(ks[5], (NUM_CAT, VOCAB, EMBED_DIM), dtype=jnp.float32) * 0.05
    cat_proj_W = jax.random.normal(ks[6], (NUM_CAT, EMBED_DIM, DIM), dtype=jnp.float32) * 0.05
    cat_proj_b = jnp.zeros((NUM_CAT, DIM), dtype=jnp.float32)
    return {
        "continuous": continuous,
        "categorical": categorical,
        "W1": W1, "b1": b1, "ln_g": ln_g, "ln_b": ln_b,
        "W2": W2, "b2": b2,
        "type_embed": type_embed,
        "cat_tables": cat_tables,
        "cat_proj_W": cat_proj_W,
        "cat_proj_b": cat_proj_b,
    }


def reference(continuous, categorical, W1, b1, ln_g, ln_b, W2, b2, type_embed, cat_tables, cat_proj_W, cat_proj_b):
    # continuous path: Linear -> LayerNorm -> GELU -> Linear
    h = continuous @ W1 + b1
    h = _layer_norm(h, ln_g, ln_b)
    h = jax.nn.gelu(h, approximate=False)
    cont_embed = h @ W2 + b2                      # [B, DIM]
    cont_embed = cont_embed[:, None, :] + type_embed[0]  # [B, 1, DIM]

    # categorical path: per-field table lookup + per-field projection
    def per_field(table, Wp, bp, idx_col):
        e = jnp.take(table, idx_col, axis=0)      # [B, EMBED_DIM]
        return e @ Wp + bp                        # [B, DIM]

    cat_out = jax.vmap(per_field)(cat_tables, cat_proj_W, cat_proj_b, categorical.T)  # [NUM_CAT, B, DIM]
    cat_out = jnp.transpose(cat_out, (1, 0, 2)) + type_embed[1]  # [B, NUM_CAT, DIM]

    combined = jnp.concatenate([cont_embed, cat_out], axis=1)  # [B, 1+NUM_CAT, DIM]
    # dropout is identity in eval mode; missing_mask is None
    return combined

if __name__ == "__main__":
    import jax
    _d = setup_inputs()
    print(jax.jit(kernel)(*tuple(_d.values())))

</pallas_src>

<mosaic_0001>
#map = affine_map<(d0, d1) -> (0, 0)>
module attributes {stable_mosaic.version = 14 : i64} {
  func.func @gather_kernel(%arg0: i32, %arg1: i32, %arg2: memref<416x100000xf32, #tpu.memory_space<hbm>>, %arg3: memref<3328x128xi32, #tpu.memory_space<hbm>>, %arg4: memref<416x16384xf32, #tpu.memory_space<hbm>>, %arg5: memref<100000xf32, #tpu.memory_space<vmem>>, %arg6: memref<128x128xi32, #tpu.memory_space<vmem>>, %arg7: memref<2x2048xf32, #tpu.memory_space<vmem>>, %arg8: memref<!tpu.dma_semaphore, #tpu.memory_space<semaphore_mem>>) attributes {dimension_semantics = [#tpu.dimension_semantics<core_parallel>, #tpu.dimension_semantics<subcore_parallel>], iteration_bounds = array<i64: 2, 16>, scalar_prefetch = 0 : i64, scratch_operands = 4 : i64, tpu.core_type = #tpu.core_type<sc_vector_subcore>, window_params = [{transform_indices = #map}, {transform_indices = #map}, {transform_indices = #map}]} {
    %mul3A = arith.constant 2 : i32
    %mul3A_0 = arith.muli %arg1, %mul3A : i32
    %add3A = arith.addi %mul3A_0, %arg0 : i32
    %mul3A_1 = arith.constant 13 : i32
    %mul3A_2 = arith.muli %add3A, %mul3A_1 : i32
    %scan3A = arith.constant 0 : i32
    %scan3A_3 = arith.constant 0 : i32
    %scan3A_4 = arith.constant 13 : i32
    %scan3A_5 = arith.addi %scan3A_3, %scan3A_4 : i32
    %scan3A_6 = arith.constant 1 : i32
    scf.for %scan3A_8 = %scan3A_3 to %scan3A_5 step %scan3A_6  : i32 {
      %mul3A_9 = arith.constant 1 : i32
      %mul3A_10 = arith.muli %scan3A_8, %mul3A_9 : i32
      %add3A_11 = arith.constant 0 : i32
      %add3A_12 = arith.addi %add3A_11, %mul3A_10 : i32
      %add3A_13 = arith.addi %mul3A_2, %add3A_12 : i32
      %jit3A = arith.constant 16 : i32
      %div3A = arith.divsi %add3A_13, %jit3A : i32
      %sign3A = arith.constant 0 : i32
      %sign3A_14 = arith.cmpi sgt, %add3A_13, %sign3A : i32
      %sign3A_15 = arith.extui %sign3A_14 : i1 to i32
      %sign3A_16 = arith.constant 0 : i32
      %sign3A_17 = arith.cmpi slt, %add3A_13, %sign3A_16 : i32
      %sign3A_18 = arith.extui %sign3A_17 : i1 to i32
      %sign3A_19 = arith.subi %sign3A_15, %sign3A_18 : i32
      %sign3A_20 = arith.constant 0 : i32
      %sign3A_21 = arith.cmpi sgt, %jit3A, %sign3A_20 : i32
      %sign3A_22 = arith.extui %sign3A_21 : i1 to i32
      %sign3A_23 = arith.constant 0 : i32
      %sign3A_24 = arith.cmpi slt, %jit3A, %sign3A_23 : i32
      %sign3A_25 = arith.extui %sign3A_24 : i1 to i32
      %sign3A_26 = arith.subi %sign3A_22, %sign3A_25 : i32
      %ne3A = arith.cmpi ne, %sign3A_19, %sign3A_26 : i32
      %rem3A = arith.remsi %add3A_13, %jit3A : i32
      %ne3A_27 = arith.constant 0 : i32
      %ne3A_28 = arith.cmpi ne, %rem3A, %ne3A_27 : i32
      %and3A = arith.andi %ne3A, %ne3A_28 : i1
      %sub3A = arith.constant 1 : i32
      %sub3A_29 = arith.subi %div3A, %sub3A : i32
      %select_n3A = arith.select %and3A, %sub3A_29, %div3A : i32
      "tpu.region"() ({
        %run_scoped3A = tpu.sem_alloc : memref<!tpu.dma_semaphore, #tpu.memory_space<semaphore_mem>>
        %dma_start3A_278 = arith.constant 0 : i32
        %dma_start3A_279 = tpu.memref_slice %arg2[%add3A_13, %dma_start3A_278] : memref<416x100000xf32, #tpu.memory_space<hbm>> -> memref<1x100000xf32, #tpu.memory_space<hbm>>
        %dma_start3A_280 = tpu.memref_squeeze %dma_start3A_279 : memref<1x100000xf32, #tpu.memory_space<hbm>> -> memref<100000xf32, #tpu.memory_space<hbm>>
        %dma_start3A_281 = arith.constant 0 : i32
        %dma_start3A_282 = tpu.memref_slice %arg2[%add3A_13, %dma_start3A_281] : memref<416x100000xf32, #tpu.memory_space<hbm>> -> memref<1x100000xf32, #tpu.memory_space<hbm>>
        %dma_start3A_283 = tpu.memref_squeeze %dma_start3A_282 : memref<1x100000xf32, #tpu.memory_space<hbm>> -> memref<100000xf32, #tpu.memory_space<hbm>>
        tpu.enqueue_dma source(%dma_start3A_283 : memref<100000xf32, #tpu.memory_space<hbm>>) target(%arg5 : memref<100000xf32, #tpu.memory_space<vmem>>) target_semaphore(%run_scoped3A : memref<!tpu.dma_semaphore, #tpu.memory_space<semaphore_mem>>)
        %dma_wait3A_284 = arith.constant 0 : i32
        %dma_wait3A_285 = tpu.memref_slice %arg2[%add3A_13, %dma_wait3A_284] : memref<416x100000xf32, #tpu.memory_space<hbm>> -> memref<1x100000xf32, #tpu.memory_space<hbm>>
        %dma_wait3A_286 = tpu.memref_squeeze %dma_wait3A_285 : memref<1x100000xf32, #tpu.memory_space<hbm>> -> memref<100000xf32, #tpu.memory_space<hbm>>
        %dma_wait3A_287 = arith.constant 0 : i32
        %dma_wait3A_288 = tpu.memref_slice %arg2[%add3A_13, %dma_wait3A_287] : memref<416x100000xf32, #tpu.memory_space<hbm>> -> memref<1x100000xf32, #tpu.memory_space<hbm>>
        %dma_wait3A_289 = tpu.memref_squeeze %dma_wait3A_288 : memref<1x100000xf32, #tpu.memory_space<hbm>> -> memref<100000xf32, #tpu.memory_space<hbm>>
        tpu.wait_dma2 semaphore(%run_scoped3A : memref<!tpu.dma_semaphore, #tpu.memory_space<semaphore_mem>>) src(%dma_wait3A_289 : memref<100000xf32, #tpu.memory_space<hbm>>) dst(%arg5 : memref<100000xf32, #tpu.memory_space<vmem>>)
        tpu.yield
      }) : () -> ()
      %mul3A_30 = arith.constant 128 : i32
      %mul3A_31 = arith.muli %select_n3A, %mul3A_30 : i32
      "tpu.region"() ({
        %run_scoped3A = tpu.sem_alloc : memref<!tpu.dma_semaphore, #tpu.memory_space<semaphore_mem>>
        %dma_start3A_278 = arith.constant 0 : i32
        %dma_start3A_279 = tpu.memref_slice %arg3[%mul3A_31, %dma_start3A_278] : memref<3328x128xi32, #tpu.memory_space<hbm>> -> memref<128x128xi32, #tpu.memory_space<hbm>>
        %dma_start3A_280 = arith.constant 0 : i32
        %dma_start3A_281 = tpu.memref_slice %arg3[%mul3A_31, %dma_start3A_280] : memref<3328x128xi32, #tpu.memory_space<hbm>> -> memref<128x128xi32, #tpu.memory_space<hbm>>
        tpu.enqueue_dma source(%dma_start3A_281 : memref<128x128xi32, #tpu.memory_space<hbm>>) target(%arg6 : memref<128x128xi32, #tpu.memory_space<vmem>>) target_semaphore(%run_scoped3A : memref<!tpu.dma_semaphore, #tpu.memory_space<semaphore_mem>>)
        %dma_wait3A_282 = arith.constant 0 : i32
        %dma_wait3A_283 = tpu.memref_slice %arg3[%mul3A_31, %dma_wait3A_282] : memref<3328x128xi32, #tpu.memory_space<hbm>> -> memref<128x128xi32, #tpu.memory_space<hbm>>
        %dma_wait3A_284 = arith.constant 0 : i32
        %dma_wait3A_285 = tpu.memref_slice %arg3[%mul3A_31, %dma_wait3A_284] : memref<3328x128xi32, #tpu.memory_space<hbm>> -> memref<128x128xi32, #tpu.memory_space<hbm>>
        tpu.wait_dma2 semaphore(%run_scoped3A : memref<!tpu.dma_semaphore, #tpu.memory_space<semaphore_mem>>) src(%dma_wait3A_285 : memref<128x128xi32, #tpu.memory_space<hbm>>) dst(%arg6 : memref<128x128xi32, #tpu.memory_space<vmem>>)
        tpu.yield
      }) : () -> ()
      %scan3A_32 = arith.constant 0 : i32
      %scan3A_33 = arith.constant 16 : i32
      %scan3A_34 = arith.addi %scan3A_32, %scan3A_33 : i32
      %scan3A_35 = arith.constant 1 : i32
      scf.for %scan3A_278 = %scan3A_32 to %scan3A_34 step %scan3A_35  : i32 {
        %mul3A_279 = arith.constant 1 : i32
        %mul3A_280 = arith.muli %scan3A_278, %mul3A_279 : i32
        %add3A_281 = arith.constant 0 : i32
        %add3A_282 = arith.addi %add3A_281, %mul3A_280 : i32
        %add3A_283 = arith.constant 0 : i32
        %add3A_284 = arith.addi %add3A_283, %add3A_282 : i32
        %get3A = arith.index_cast %add3A_284 : i32 to index
        %get3A_285 = arith.constant 0 : index
        %get3A_286 = tpu.vector_load %arg6[%get3A, %get3A_285] {strides = array<i32>} : memref<128x128xi32, #tpu.memory_space<vmem>>, vector<16xi32>,
        %gather3A = tpu.vector_load_idx %arg5[%get3A_286] : memref<100000xf32, #tpu.memory_space<vmem>>[vector<16xi32>], vector<16xf32>,
        %mul3A_287 = arith.constant 128 : i32
        %mul3A_288 = arith.muli %add3A_282, %mul3A_287 : i32
        %add3A_289 = arith.constant 0 : i32
        %add3A_290 = arith.addi %mul3A_288, %add3A_289 : i32
        %swap3A = arith.constant 0 : i32
        %swap3A_291 = arith.index_cast %swap3A : i32 to index
        %swap3A_292 = arith.index_cast %add3A_290 : i32 to index
        %swap3A_293 = tpu.vector_load %arg7[%swap3A_291, %swap3A_292] {strides = array<i32>} : memref<2x2048xf32, #tpu.memory_space<vmem>>, vector<16xf32>,
        tpu.vector_store %arg7[%swap3A_291, %swap3A_292], %gather3A {strides = array<i32>} : memref<2x2048xf32, #tpu.memory_space<vmem>>, vector<16xf32>,
        %get3A_294 = arith.index_cast %add3A_284 : i32 to index
        %get3A_295 = arith.constant 16 : index
        %get3A_296 = tpu.vector_load %arg6[%get3A_294, %get3A_295] {strides = array<i32>} : memref<128x128xi32, #tpu.memory_space<vmem>>, vector<16xi32>,
        %gather3A_297 = tpu.vector_load_idx %arg5[%get3A_296] : memref<100000xf32, #tpu.memory_space<vmem>>[vector<16xi32>], vector<16xf32>,
        %mul3A_298 = arith.constant 128 : i32
        %mul3A_299 = arith.muli %add3A_282, %mul3A_298 : i32
        %add3A_300 = arith.constant 16 : i32
        %add3A_301 = arith.addi %mul3A_299, %add3A_300 : i32
        %swap3A_302 = arith.constant 0 : i32
        %swap3A_303 = arith.index_cast %swap3A_302 : i32 to index
        %swap3A_304 = arith.index_cast %add3A_301 : i32 to index
        %swap3A_305 = tpu.vector_load %arg7[%swap3A_303, %swap3A_304] {strides = array<i32>} : memref<2x2048xf32, #tpu.memory_space<vmem>>, vector<16xf32>,
        tpu.vector_store %arg7[%swap3A_303, %swap3A_304], %gather3A_297 {strides = array<i32>} : memref<2x2048xf32, #tpu.memory_space<vmem>>, vector<16xf32>,
        %get3A_306 = arith.index_cast %add3A_284 : i32 to index
        %get3A_307 = arith.constant 32 : index
        %get3A_308 = tpu.vector_load %arg6[%get3A_306, %get3A_307] {strides = array<i32>} : memref<128x128xi32, #tpu.memory_space<vmem>>, vector<16xi32>,
        %gather3A_309 = tpu.vector_load_idx %arg5[%get3A_308] : memref<100000xf32, #tpu.memory_space<vmem>>[vector<16xi32>], vector<16xf32>,
        %mul3A_310 = arith.constant 128 : i32
        %mul3A_311 = arith.muli %add3A_282, %mul3A_310 : i32
        %add3A_312 = arith.constant 32 : i32
        %add3A_313 = arith.addi %mul3A_311, %add3A_312 : i32
        %swap3A_314 = arith.constant 0 : i32
        %swap3A_315 = arith.index_cast %swap3A_314 : i32 to index
        %swap3A_316 = arith.index_cast %add3A_313 : i32 to index
        %swap3A_317 = tpu.vector_load %arg7[%swap3A_315, %swap3A_316] {strides = array<i32>} : memref<2x2048xf32, #tpu.memory_space<vmem>>, vector<16xf32>,
        tpu.vector_store %arg7[%swap3A_315, %swap3A_316], %gather3A_309 {strides = array<i32>} : memref<2x2048xf32, #tpu.memory_space<vmem>>, vector<16xf32>,
        %get3A_318 = arith.index_cast %add3A_284 : i32 to index
        %get3A_319 = arith.constant 48 : index
        %get3A_320 = tpu.vector_load %arg6[%get3A_318, %get3A_319] {strides = array<i32>} : memref<128x128xi32, #tpu.memory_space<vmem>>, vector<16xi32>,
        %gather3A_321 = tpu.vector_load_idx %arg5[%get3A_320] : memref<100000xf32, #tpu.memory_space<vmem>>[vector<16xi32>], vector<16xf32>,
        %mul3A_322 = arith.constant 128 : i32
        %mul3A_323 = arith.muli %add3A_282, %mul3A_322 : i32
        %add3A_324 = arith.constant 48 : i32
        %add3A_325 = arith.addi %mul3A_323, %add3A_324 : i32
        %swap3A_326 = arith.constant 0 : i32
        %swap3A_327 = arith.index_cast %swap3A_326 : i32 to index
        %swap3A_328 = arith.index_cast %add3A_325 : i32 to index
        %swap3A_329 = tpu.vector_load %arg7[%swap3A_327, %swap3A_328] {strides = array<i32>} : memref<2x2048xf32, #tpu.memory_space<vmem>>, vector<16xf32>,
        tpu.vector_store %arg7[%swap3A_327, %swap3A_328], %gather3A_321 {strides = array<i32>} : memref<2x2048xf32, #tpu.memory_space<vmem>>, vector<16xf32>,
        %get3A_330 = arith.index_cast %add3A_284 : i32 to index
        %get3A_331 = arith.constant 64 : index
        %get3A_332 = tpu.vector_load %arg6[%get3A_330, %get3A_331] {strides = array<i32>} : memref<128x128xi32, #tpu.memory_space<vmem>>, vector<16xi32>,
        %gather3A_333 = tpu.vector_load_idx %arg5[%get3A_332] : memref<100000xf32, #tpu.memory_space<vmem>>[vector<16xi32>], vector<16xf32>,
        %mul3A_334 = arith.constant 128 : i32
        %mul3A_335 = arith.muli %add3A_282, %mul3A_334 : i32
        %add3A_336 = arith.constant 64 : i32
        %add3A_337 = arith.addi %mul3A_335, %add3A_336 : i32
        %swap3A_338 = arith.constant 0 : i32
        %swap3A_339 = arith.index_cast %swap3A_338 : i32 to index
        %swap3A_340 = arith.index_cast %add3A_337 : i32 to index
        %swap3A_341 = tpu.vector_load %arg7[%swap3A_339, %swap3A_340] {strides = array<i32>} : memref<2x2048xf32, #tpu.memory_space<vmem>>, vector<16xf32>,
        tpu.vector_store %arg7[%swap3A_339, %swap3A_340], %gather3A_333 {strides = array<i32>} : memref<2x2048xf32, #tpu.memory_space<vmem>>, vector<16xf32>,
        %get3A_342 = arith.index_cast %add3A_284 : i32 to index
        %get3A_343 = arith.constant 80 : index
        %get3A_344 = tpu.vector_load %arg6[%get3A_342, %get3A_343] {strides = array<i32>} : memref<128x128xi32, #tpu.memory_space<vmem>>, vector<16xi32>,
        %gather3A_345 = tpu.vector_load_idx %arg5[%get3A_344] : memref<100000xf32, #tpu.memory_space<vmem>>[vector<16xi32>], vector<16xf32>,
        %mul3A_346 = arith.constant 128 : i32
        %mul3A_347 = arith.muli %add3A_282, %mul3A_346 : i32
        %add3A_348 = arith.constant 80 : i32
        %add3A_349 = arith.addi %mul3A_347, %add3A_348 : i32
        %swap3A_350 = arith.constant 0 : i32
        %swap3A_351 = arith.index_cast %swap3A_350 : i32 to index
        %swap3A_352 = arith.index_cast %add3A_349 : i32 to index
        %swap3A_353 = tpu.vector_load %arg7[%swap3A_351, %swap3A_352] {strides = array<i32>} : memref<2x2048xf32, #tpu.memory_space<vmem>>, vector<16xf32>,
        tpu.vector_store %arg7[%swap3A_351, %swap3A_352], %gather3A_345 {strides = array<i32>} : memref<2x2048xf32, #tpu.memory_space<vmem>>, vector<16xf32>,
        %get3A_354 = arith.index_cast %add3A_284 : i32 to index
        %get3A_355 = arith.constant 96 : index
        %get3A_356 = tpu.vector_load %arg6[%get3A_354, %get3A_355] {strides = array<i32>} : memref<128x128xi32, #tpu.memory_space<vmem>>, vector<16xi32>,
        %gather3A_357 = tpu.vector_load_idx %arg5[%get3A_356] : memref<100000xf32, #tpu.memory_space<vmem>>[vector<16xi32>], vector<16xf32>,
        %mul3A_358 = arith.constant 128 : i32
        %mul3A_359 = arith.muli %add3A_282, %mul3A_358 : i32
        %add3A_360 = arith.constant 96 : i32
        %add3A_361 = arith.addi %mul3A_359, %add3A_360 : i32
        %swap3A_362 = arith.constant 0 : i32
        %swap3A_363 = arith.index_cast %swap3A_362 : i32 to index
        %swap3A_364 = arith.index_cast %add3A_361 : i32 to index
        %swap3A_365 = tpu.vector_load %arg7[%swap3A_363, %swap3A_364] {strides = array<i32>} : memref<2x2048xf32, #tpu.memory_space<vmem>>, vector<16xf32>,
        tpu.vector_store %arg7[%swap3A_363, %swap3A_364], %gather3A_357 {strides = array<i32>} : memref<2x2048xf32, #tpu.memory_space<vmem>>, vector<16xf32>,
        %get3A_366 = arith.index_cast %add3A_284 : i32 to index
        %get3A_367 = arith.constant 112 : index
        %get3A_368 = tpu.vector_load %arg6[%get3A_366, %get3A_367] {strides = array<i32>} : memref<128x128xi32, #tpu.memory_space<vmem>>, vector<16xi32>,
        %gather3A_369 = tpu.vector_load_idx %arg5[%get3A_368] : memref<100000xf32, #tpu.memory_space<vmem>>[vector<16xi32>], vector<16xf32>,
        %mul3A_370 = arith.constant 128 : i32
        %mul3A_371 = arith.muli %add3A_282, %mul3A_370 : i32
        %add3A_372 = arith.constant 112 : i32
        %add3A_373 = arith.addi %mul3A_371, %add3A_372 : i32
        %swap3A_374 = arith.constant 0 : i32
        %swap3A_375 = arith.index_cast %swap3A_374 : i32 to index
        %swap3A_376 = arith.index_cast %add3A_373 : i32 to index
        %swap3A_377 = tpu.vector_load %arg7[%swap3A_375, %swap3A_376] {strides = array<i32>} : memref<2x2048xf32, #tpu.memory_space<vmem>>, vector<16xf32>,
        tpu.vector_store %arg7[%swap3A_375, %swap3A_376], %gather3A_369 {strides = array<i32>} : memref<2x2048xf32, #tpu.memory_space<vmem>>, vector<16xf32>,
      }
      %scan3A_36 = arith.constant 16 : i32
      %dma_start3A = arith.constant 0 : i32
      %dma_start3A_37 = arith.constant 0 : i32
      %dma_start3A_38 = tpu.memref_slice %arg7[%dma_start3A, %dma_start3A_37] : memref<2x2048xf32, #tpu.memory_space<vmem>> -> memref<1x2048xf32, #tpu.memory_space<vmem>>
      %dma_start3A_39 = tpu.memref_squeeze %dma_start3A_38 : memref<1x2048xf32, #tpu.memory_space<vmem>> -> memref<2048xf32, #tpu.memory_space<vmem>>
      %dma_start3A_40 = arith.constant 0 : i32
      %dma_start3A_41 = tpu.memref_slice %arg4[%add3A_13, %dma_start3A_40] : memref<416x16384xf32, #tpu.memory_space<hbm>> -> memref<1x2048xf32, #tpu.memory_space<hbm>>
      %dma_start3A_42 = tpu.memref_squeeze %dma_start3A_41 : memref<1x2048xf32, #tpu.memory_space<hbm>> -> memref<2048xf32, #tpu.memory_space<hbm>>
      %dma_start3A_43 = arith.constant 0 : i32
      %dma_start3A_44 = tpu.memref_slice %arg4[%add3A_13, %dma_start3A_43] : memref<416x16384xf32, #tpu.memory_space<hbm>> -> memref<1x2048xf32, #tpu.memory_space<hbm>>
      %dma_start3A_45 = tpu.memref_squeeze %dma_start3A_44 : memref<1x2048xf32, #tpu.memory_space<hbm>> -> memref<2048xf32, #tpu.memory_space<hbm>>
      %dma_start3A_46 = arith.constant 0 : i32
      %dma_start3A_47 = tpu.memref_slice %arg7[%dma_start3A, %dma_start3A_46] : memref<2x2048xf32, #tpu.memory_space<vmem>> -> memref<1x2048xf32, #tpu.memory_space<vmem>>
      %dma_start3A_48 = tpu.memref_squeeze %dma_start3A_47 : memref<1x2048xf32, #tpu.memory_space<vmem>> -> memref<2048xf32, #tpu.memory_space<vmem>>
      tpu.enqueue_dma source(%dma_start3A_48 : memref<2048xf32, #tpu.memory_space<vmem>>) target(%dma_start3A_45 : memref<2048xf32, #tpu.memory_space<hbm>>) target_semaphore(%arg8 : memref<!tpu.dma_semaphore, #tpu.memory_space<semaphore_mem>>)
      %scan3A_49 = arith.constant 0 : i32
      %scan3A_50 = arith.constant 16 : i32
      %scan3A_51 = arith.addi %scan3A_49, %scan3A_50 : i32
      %scan3A_52 = arith.constant 1 : i32
      scf.for %scan3A_278 = %scan3A_49 to %scan3A_51 step %scan3A_52  : i32 {
        %mul3A_279 = arith.constant 1 : i32
        %mul3A_280 = arith.muli %scan3A_278, %mul3A_279 : i32
        %add3A_281 = arith.constant 0 : i32
        %add3A_282 = arith.addi %add3A_281, %mul3A_280 : i32
        %add3A_283 = arith.constant 16 : i32
        %add3A_284 = arith.addi %add3A_283, %add3A_282 : i32
        %get3A = arith.index_cast %add3A_284 : i32 to index
        %get3A_285 = arith.constant 0 : index
        %get3A_286 = tpu.vector_load %arg6[%get3A, %get3A_285] {strides = array<i32>} : memref<128x128xi32, #tpu.memory_space<vmem>>, vector<16xi32>,
        %gather3A = tpu.vector_load_idx %arg5[%get3A_286] : memref<100000xf32, #tpu.memory_space<vmem>>[vector<16xi32>], vector<16xf32>,
        %mul3A_287 = arith.constant 128 : i32
        %mul3A_288 = arith.muli %add3A_282, %mul3A_287 : i32
        %add3A_289 = arith.constant 0 : i32
        %add3A_290 = arith.addi %mul3A_288, %add3A_289 : i32
        %swap3A = arith.constant 1 : i32
        %swap3A_291 = arith.index_cast %swap3A : i32 to index
        %swap3A_292 = arith.index_cast %add3A_290 : i32 to index
        %swap3A_293 = tpu.vector_load %arg7[%swap3A_291, %swap3A_292] {strides = array<i32>} : memref<2x2048xf32, #tpu.memory_space<vmem>>, vector<16xf32>,
        tpu.vector_store %arg7[%swap3A_291, %swap3A_292], %gather3A {strides = array<i32>} : memref<2x2048xf32, #tpu.memory_space<vmem>>, vector<16xf32>,
        %get3A_294 = arith.index_cast %add3A_284 : i32 to index
        %get3A_295 = arith.constant 16 : index
        %get3A_296 = tpu.vector_load %arg6[%get3A_294, %get3A_295] {strides = array<i32>} : memref<128x128xi32, #tpu.memory_space<vmem>>, vector<16xi32>,
        %gather3A_297 = tpu.vector_load_idx %arg5[%get3A_296] : memref<100000xf32, #tpu.memory_space<vmem>>[vector<16xi32>], vector<16xf32>,
        %mul3A_298 = arith.constant 128 : i32
        %mul3A_299 = arith.muli %add3A_282, %mul3A_298 : i32
        %add3A_300 = arith.constant 16 : i32
        %add3A_301 = arith.addi %mul3A_299, %add3A_300 : i32
        %swap3A_302 = arith.constant 1 : i32
        %swap3A_303 = arith.index_cast %swap3A_302 : i32 to index
        %swap3A_304 = arith.index_cast %add3A_301 : i32 to index
        %swap3A_305 = tpu.vector_load %arg7[%swap3A_303, %swap3A_304] {strides = array<i32>} : memref<2x2048xf32, #tpu.memory_space<vmem>>, vector<16xf32>,
        tpu.vector_store %arg7[%swap3A_303, %swap3A_304], %gather3A_297 {strides = array<i32>} : memref<2x2048xf32, #tpu.memory_space<vmem>>, vector<16xf32>,
        %get3A_306 = arith.index_cast %add3A_284 : i32 to index
        %get3A_307 = arith.constant 32 : index
        %get3A_308 = tpu.vector_load %arg6[%get3A_306, %get3A_307] {strides = array<i32>} : memref<128x128xi32, #tpu.memory_space<vmem>>, vector<16xi32>,
        %gather3A_309 = tpu.vector_load_idx %arg5[%get3A_308] : memref<100000xf32, #tpu.memory_space<vmem>>[vector<16xi32>], vector<16xf32>,
        %mul3A_310 = arith.constant 128 : i32
        %mul3A_311 = arith.muli %add3A_282, %mul3A_310 : i32
        %add3A_312 = arith.constant 32 : i32
        %add3A_313 = arith.addi %mul3A_311, %add3A_312 : i32
        %swap3A_314 = arith.constant 1 : i32
        %swap3A_315 = arith.index_cast %swap3A_314 : i32 to index
        %swap3A_316 = arith.index_cast %add3A_313 : i32 to index
        %swap3A_317 = tpu.vector_load %arg7[%swap3A_315, %swap3A_316] {strides = array<i32>} : memref<2x2048xf32, #tpu.memory_space<vmem>>, vector<16xf32>,
        tpu.vector_store %arg7[%swap3A_315, %swap3A_316], %gather3A_309 {strides = array<i32>} : memref<2x2048xf32, #tpu.memory_space<vmem>>, vector<16xf32>,
        %get3A_318 = arith.index_cast %add3A_284 : i32 to index
        %get3A_319 = arith.constant 48 : index
        %get3A_320 = tpu.vector_load %arg6[%get3A_318, %get3A_319] {strides = array<i32>} : memref<128x128xi32, #tpu.memory_space<vmem>>, vector<16xi32>,
        %gather3A_321 = tpu.vector_load_idx %arg5[%get3A_320] : memref<100000xf32, #tpu.memory_space<vmem>>[vector<16xi32>], vector<16xf32>,
        %mul3A_322 = arith.constant 128 : i32
        %mul3A_323 = arith.muli %add3A_282, %mul3A_322 : i32
        %add3A_324 = arith.constant 48 : i32
        %add3A_325 = arith.addi %mul3A_323, %add3A_324 : i32
        %swap3A_326 = arith.constant 1 : i32
        %swap3A_327 = arith.index_cast %swap3A_326 : i32 to index
        %swap3A_328 = arith.index_cast %add3A_325 : i32 to index
        %swap3A_329 = tpu.vector_load %arg7[%swap3A_327, %swap3A_328] {strides = array<i32>} : memref<2x2048xf32, #tpu.memory_space<vmem>>, vector<16xf32>,
        tpu.vector_store %arg7[%swap3A_327, %swap3A_328], %gather3A_321 {strides = array<i32>} : memref<2x2048xf32, #tpu.memory_space<vmem>>, vector<16xf32>,
        %get3A_330 = arith.index_cast %add3A_284 : i32 to index
        %get3A_331 = arith.constant 64 : index
        %get3A_332 = tpu.vector_load %arg6[%get3A_330, %get3A_331] {strides = array<i32>} : memref<128x128xi32, #tpu.memory_space<vmem>>, vector<16xi32>,
        %gather3A_333 = tpu.vector_load_idx %arg5[%get3A_332] : memref<100000xf32, #tpu.memory_space<vmem>>[vector<16xi32>], vector<16xf32>,
        %mul3A_334 = arith.constant 128 : i32
        %mul3A_335 = arith.muli %add3A_282, %mul3A_334 : i32
        %add3A_336 = arith.constant 64 : i32
        %add3A_337 = arith.addi %mul3A_335, %add3A_336 : i32
        %swap3A_338 = arith.constant 1 : i32
        %swap3A_339 = arith.index_cast %swap3A_338 : i32 to index
        %swap3A_340 = arith.index_cast %add3A_337 : i32 to index
        %swap3A_341 = tpu.vector_load %arg7[%swap3A_339, %swap3A_340] {strides = array<i32>} : memref<2x2048xf32, #tpu.memory_space<vmem>>, vector<16xf32>,
        tpu.vector_store %arg7[%swap3A_339, %swap3A_340], %gather3A_333 {strides = array<i32>} : memref<2x2048xf32, #tpu.memory_space<vmem>>, vector<16xf32>,
        %get3A_342 = arith.index_cast %add3A_284 : i32 to index
        %get3A_343 = arith.constant 80 : index
        %get3A_344 = tpu.vector_load %arg6[%get3A_342, %get3A_343] {strides = array<i32>} : memref<128x128xi32, #tpu.memory_space<vmem>>, vector<16xi32>,
        %gather3A_345 = tpu.vector_load_idx %arg5[%get3A_344] : memref<100000xf32, #tpu.memory_space<vmem>>[vector<16xi32>], vector<16xf32>,
        %mul3A_346 = arith.constant 128 : i32
        %mul3A_347 = arith.muli %add3A_282, %mul3A_346 : i32
        %add3A_348 = arith.constant 80 : i32
        %add3A_349 = arith.addi %mul3A_347, %add3A_348 : i32
        %swap3A_350 = arith.constant 1 : i32
        %swap3A_351 = arith.index_cast %swap3A_350 : i32 to index
        %swap3A_352 = arith.index_cast %add3A_349 : i32 to index
        %swap3A_353 = tpu.vector_load %arg7[%swap3A_351, %swap3A_352] {strides = array<i32>} : memref<2x2048xf32, #tpu.memory_space<vmem>>, vector<16xf32>,
        tpu.vector_store %arg7[%swap3A_351, %swap3A_352], %gather3A_345 {strides = array<i32>} : memref<2x2048xf32, #tpu.memory_space<vmem>>, vector<16xf32>,
        %get3A_354 = arith.index_cast %add3A_284 : i32 to index
        %get3A_355 = arith.constant 96 : index
        %get3A_356 = tpu.vector_load %arg6[%get3A_354, %get3A_355] {strides = array<i32>} : memref<128x128xi32, #tpu.memory_space<vmem>>, vector<16xi32>,
        %gather3A_357 = tpu.vector_load_idx %arg5[%get3A_356] : memref<100000xf32, #tpu.memory_space<vmem>>[vector<16xi32>], vector<16xf32>,
        %mul3A_358 = arith.constant 128 : i32
        %mul3A_359 = arith.muli %add3A_282, %mul3A_358 : i32
        %add3A_360 = arith.constant 96 : i32
        %add3A_361 = arith.addi %mul3A_359, %add3A_360 : i32
        %swap3A_362 = arith.constant 1 : i32
        %swap3A_363 = arith.index_cast %swap3A_362 : i32 to index
        %swap3A_364 = arith.index_cast %add3A_361 : i32 to index
        %swap3A_365 = tpu.vector_load %arg7[%swap3A_363, %swap3A_364] {strides = array<i32>} : memref<2x2048xf32, #tpu.memory_space<vmem>>, vector<16xf32>,
        tpu.vector_store %arg7[%swap3A_363, %swap3A_364], %gather3A_357 {strides = array<i32>} : memref<2x2048xf32, #tpu.memory_space<vmem>>, vector<16xf32>,
        %get3A_366 = arith.index_cast %add3A_284 : i32 to index
        %get3A_367 = arith.constant 112 : index
        %get3A_368 = tpu.vector_load %arg6[%get3A_366, %get3A_367] {strides = array<i32>} : memref<128x128xi32, #tpu.memory_space<vmem>>, vector<16xi32>,
        %gather3A_369 = tpu.vector_load_idx %arg5[%get3A_368] : memref<100000xf32, #tpu.memory_space<vmem>>[vector<16xi32>], vector<16xf32>,
        %mul3A_370 = arith.constant 128 : i32
        %mul3A_371 = arith.muli %add3A_282, %mul3A_370 : i32
        %add3A_372 = arith.constant 112 : i32
        %add3A_373 = arith.addi %mul3A_371, %add3A_372 : i32
        %swap3A_374 = arith.constant 1 : i32
        %swap3A_375 = arith.index_cast %swap3A_374 : i32 to index
        %swap3A_376 = arith.index_cast %add3A_373 : i32 to index
        %swap3A_377 = tpu.vector_load %arg7[%swap3A_375, %swap3A_376] {strides = array<i32>} : memref<2x2048xf32, #tpu.memory_space<vmem>>, vector<16xf32>,
        tpu.vector_store %arg7[%swap3A_375, %swap3A_376], %gather3A_369 {strides = array<i32>} : memref<2x2048xf32, #tpu.memory_space<vmem>>, vector<16xf32>,
      }
      %scan3A_53 = arith.constant 16 : i32
      %dma_start3A_54 = arith.constant 1 : i32
      %dma_start3A_55 = arith.constant 0 : i32
      %dma_start3A_56 = tpu.memref_slice %arg7[%dma_start3A_54, %dma_start3A_55] : memref<2x2048xf32, #tpu.memory_space<vmem>> -> memref<1x2048xf32, #tpu.memory_space<vmem>>
      %dma_start3A_57 = tpu.memref_squeeze %dma_start3A_56 : memref<1x2048xf32, #tpu.memory_space<vmem>> -> memref<2048xf32, #tpu.memory_space<vmem>>
      %dma_start3A_58 = arith.constant 2048 : i32
      %dma_start3A_59 = tpu.memref_slice %arg4[%add3A_13, %dma_start3A_58] : memref<416x16384xf32, #tpu.memory_space<hbm>> -> memref<1x2048xf32, #tpu.memory_space<hbm>>
      %dma_start3A_60 = tpu.memref_squeeze %dma_start3A_59 : memref<1x2048xf32, #tpu.memory_space<hbm>> -> memref<2048xf32, #tpu.memory_space<hbm>>
      %dma_start3A_61 = arith.constant 2048 : i32
      %dma_start3A_62 = tpu.memref_slice %arg4[%add3A_13, %dma_start3A_61] : memref<416x16384xf32, #tpu.memory_space<hbm>> -> memref<1x2048xf32, #tpu.memory_space<hbm>>
      %dma_start3A_63 = tpu.memref_squeeze %dma_start3A_62 : memref<1x2048xf32, #tpu.memory_space<hbm>> -> memref<2048xf32, #tpu.memory_space<hbm>>
      %dma_start3A_64 = arith.constant 0 : i32
      %dma_start3A_65 = tpu.memref_slice %arg7[%dma_start3A_54, %dma_start3A_64] : memref<2x2048xf32, #tpu.memory_space<vmem>> -> memref<1x2048xf32, #tpu.memory_space<vmem>>
      %dma_start3A_66 = tpu.memref_squeeze %dma_start3A_65 : memref<1x2048xf32, #tpu.memory_space<vmem>> -> memref<2048xf32, #tpu.memory_space<vmem>>
      tpu.enqueue_dma source(%dma_start3A_66 : memref<2048xf32, #tpu.memory_space<vmem>>) target(%dma_start3A_63 : memref<2048xf32, #tpu.memory_space<hbm>>) target_semaphore(%arg8 : memref<!tpu.dma_semaphore, #tpu.memory_space<semaphore_mem>>)
      %dma_wait3A = arith.constant 0 : i32
      %dma_wait3A_67 = arith.constant 0 : i32
      %dma_wait3A_68 = tpu.memref_slice %arg7[%dma_wait3A, %dma_wait3A_67] : memref<2x2048xf32, #tpu.memory_space<vmem>> -> memref<1x2048xf32, #tpu.memory_space<vmem>>
      %dma_wait3A_69 = tpu.memref_squeeze %dma_wait3A_68 : memref<1x2048xf32, #tpu.memory_space<vmem>> -> memref<2048xf32, #tpu.memory_space<vmem>>
      %dma_wait3A_70 = arith.constant 0 : i32
      %dma_wait3A_71 = tpu.memref_slice %arg2[%scan3A, %dma_wait3A_70] : memref<416x100000xf32, #tpu.memory_space<hbm>> -> memref<1x2048xf32, #tpu.memory_space<hbm>>
      %dma_wait3A_72 = tpu.memref_squeeze %dma_wait3A_71 : memref<1x2048xf32, #tpu.memory_space<hbm>> -> memref<2048xf32, #tpu.memory_space<hbm>>
      %dma_wait3A_73 = arith.constant 0 : i32
      %dma_wait3A_74 = tpu.memref_slice %arg7[%dma_wait3A, %dma_wait3A_73] : memref<2x2048xf32, #tpu.memory_space<vmem>> -> memref<1x2048xf32, #tpu.memory_space<vmem>>
      %dma_wait3A_75 = tpu.memref_squeeze %dma_wait3A_74 : memref<1x2048xf32, #tpu.memory_space<vmem>> -> memref<2048xf32, #tpu.memory_space<vmem>>
      %dma_wait3A_76 = arith.constant 0 : i32
      %dma_wait3A_77 = tpu.memref_slice %arg2[%scan3A, %dma_wait3A_76] : memref<416x100000xf32, #tpu.memory_space<hbm>> -> memref<1x2048xf32, #tpu.memory_space<hbm>>
      %dma_wait3A_78 = tpu.memref_squeeze %dma_wait3A_77 : memref<1x2048xf32, #tpu.memory_space<hbm>> -> memref<2048xf32, #tpu.memory_space<hbm>>
      tpu.wait_dma2 semaphore(%arg8 : memref<!tpu.dma_semaphore, #tpu.memory_space<semaphore_mem>>) src(%dma_wait3A_78 : memref<2048xf32, #tpu.memory_space<hbm>>) dst(%dma_wait3A_75 : memref<2048xf32, #tpu.memory_space<vmem>>)
      %scan3A_79 = arith.constant 0 : i32
      %scan3A_80 = arith.constant 16 : i32
      %scan3A_81 = arith.addi %scan3A_79, %scan3A_80 : i32
      %scan3A_82 = arith.constant 1 : i32
      scf.for %scan3A_278 = %scan3A_79 to %scan3A_81 step %scan3A_82  : i32 {
        %mul3A_279 = arith.constant 1 : i32
        %mul3A_280 = arith.muli %scan3A_278, %mul3A_279 : i32
        %add3A_281 = arith.constant 0 : i32
        %add3A_282 = arith.addi %add3A_281, %mul3A_280 : i32
        %add3A_283 = arith.constant 32 : i32
        %add3A_284 = arith.addi %add3A_283, %add3A_282 : i32
        %get3A = arith.index_cast %add3A_284 : i32 to index
        %get3A_285 = arith.constant 0 : index
        %get3A_286 = tpu.vector_load %arg6[%get3A, %get3A_285] {strides = array<i32>} : memref<128x128xi32, #tpu.memory_space<vmem>>, vector<16xi32>,
        %gather3A = tpu.vector_load_idx %arg5[%get3A_286] : memref<100000xf32, #tpu.memory_space<vmem>>[vector<16xi32>], vector<16xf32>,
        %mul3A_287 = arith.constant 128 : i32
        %mul3A_288 = arith.muli %add3A_282, %mul3A_287 : i32
        %add3A_289 = arith.constant 0 : i32
        %add3A_290 = arith.addi %mul3A_288, %add3A_289 : i32
        %swap3A = arith.constant 0 : i32
        %swap3A_291 = arith.index_cast %swap3A : i32 to index
        %swap3A_292 = arith.index_cast %add3A_290 : i32 to index
        %swap3A_293 = tpu.vector_load %arg7[%swap3A_291, %swap3A_292] {strides = array<i32>} : memref<2x2048xf32, #tpu.memory_space<vmem>>, vector<16xf32>,
        tpu.vector_store %arg7[%swap3A_291, %swap3A_292], %gather3A {strides = array<i32>} : memref<2x2048xf32, #tpu.memory_space<vmem>>, vector<16xf32>,
        %get3A_294 = arith.index_cast %add3A_284 : i32 to index
        %get3A_295 = arith.constant 16 : index
        %get3A_296 = tpu.vector_load %arg6[%get3A_294, %get3A_295] {strides = array<i32>} : memref<128x128xi32, #tpu.memory_space<vmem>>, vector<16xi32>,
        %gather3A_297 = tpu.vector_load_idx %arg5[%get3A_296] : memref<100000xf32, #tpu.memory_space<vmem>>[vector<16xi32>], vector<16xf32>,
        %mul3A_298 = arith.constant 128 : i32
        %mul3A_299 = arith.muli %add3A_282, %mul3A_298 : i32
        %add3A_300 = arith.constant 16 : i32
        %add3A_301 = arith.addi %mul3A_299, %add3A_300 : i32
        %swap3A_302 = arith.constant 0 : i32
        %swap3A_303 = arith.index_cast %swap3A_302 : i32 to index
        %swap3A_304 = arith.index_cast %add3A_301 : i32 to index
        %swap3A_305 = tpu.vector_load %arg7[%swap3A_303, %swap3A_304] {strides = array<i32>} : memref<2x2048xf32, #tpu.memory_space<vmem>>, vector<16xf32>,
        tpu.vector_store %arg7[%swap3A_303, %swap3A_304], %gather3A_297 {strides = array<i32>} : memref<2x2048xf32, #tpu.memory_space<vmem>>, vector<16xf32>,
        %get3A_306 = arith.index_cast %add3A_284 : i32 to index
        %get3A_307 = arith.constant 32 : index
        %get3A_308 = tpu.vector_load %arg6[%get3A_306, %get3A_307] {strides = array<i32>} : memref<128x128xi32, #tpu.memory_space<vmem>>, vector<16xi32>,
        %gather3A_309 = tpu.vector_load_idx %arg5[%get3A_308] : memref<100000xf32, #tpu.memory_space<vmem>>[vector<16xi32>], vector<16xf32>,
        %mul3A_310 = arith.constant 128 : i32
        %mul3A_311 = arith.muli %add3A_282, %mul3A_310 : i32
        %add3A_312 = arith.constant 32 : i32
        %add3A_313 = arith.addi %mul3A_311, %add3A_312 : i32
        %swap3A_314 = arith.constant 0 : i32
        %swap3A_315 = arith.index_cast %swap3A_314 : i32 to index
        %swap3A_316 = arith.index_cast %add3A_313 : i32 to index
        %swap3A_317 = tpu.vector_load %arg7[%swap3A_315, %swap3A_316] {strides = array<i32>} : memref<2x2048xf32, #tpu.memory_space<vmem>>, vector<16xf32>,
        tpu.vector_store %arg7[%swap3A_315, %swap3A_316], %gather3A_309 {strides = array<i32>} : memref<2x2048xf32, #tpu.memory_space<vmem>>, vector<16xf32>,
        %get3A_318 = arith.index_cast %add3A_284 : i32 to index
        %get3A_319 = arith.constant 48 : index
        %get3A_320 = tpu.vector_load %arg6[%get3A_318, %get3A_319] {strides = array<i32>} : memref<128x128xi32, #tpu.memory_space<vmem>>, vector<16xi32>,
        %gather3A_321 = tpu.vector_load_idx %arg5[%get3A_320] : memref<100000xf32, #tpu.memory_space<vmem>>[vector<16xi32>], vector<16xf32>,
        %mul3A_322 = arith.constant 128 : i32
        %mul3A_323 = arith.muli %add3A_282, %mul3A_322 : i32
        %add3A_324 = arith.constant 48 : i32
        %add3A_325 = arith.addi %mul3A_323, %add3A_324 : i32
        %swap3A_326 = arith.constant 0 : i32
        %swap3A_327 = arith.index_cast %swap3A_326 : i32 to index
        %swap3A_328 = arith.index_cast %add3A_325 : i32 to index
        %swap3A_329 = tpu.vector_load %arg7[%swap3A_327, %swap3A_328] {strides = array<i32>} : memref<2x2048xf32, #tpu.memory_space<vmem>>, vector<16xf32>,
        tpu.vector_store %arg7[%swap3A_327, %swap3A_328], %gather3A_321 {strides = array<i32>} : memref<2x2048xf32, #tpu.memory_space<vmem>>, vector<16xf32>,
        %get3A_330 = arith.index_cast %add3A_284 : i32 to index
        %get3A_331 = arith.constant 64 : index
        %get3A_332 = tpu.vector_load %arg6[%get3A_330, %get3A_331] {strides = array<i32>} : memref<128x128xi32, #tpu.memory_space<vmem>>, vector<16xi32>,
        %gather3A_333 = tpu.vector_load_idx %arg5[%get3A_332] : memref<100000xf32, #tpu.memory_space<vmem>>[vector<16xi32>], vector<16xf32>,
        %mul3A_334 = arith.constant 128 : i32
        %mul3A_335 = arith.muli %add3A_282, %mul3A_334 : i32
        %add3A_336 = arith.constant 64 : i32
        %add3A_337 = arith.addi %mul3A_335, %add3A_336 : i32
        %swap3A_338 = arith.constant 0 : i32
        %swap3A_339 = arith.index_cast %swap3A_338 : i32 to index
        %swap3A_340 = arith.index_cast %add3A_337 : i32 to index
        %swap3A_341 = tpu.vector_load %arg7[%swap3A_339, %swap3A_340] {strides = array<i32>} : memref<2x2048xf32, #tpu.memory_space<vmem>>, vector<16xf32>,
        tpu.vector_store %arg7[%swap3A_339, %swap3A_340], %gather3A_333 {strides = array<i32>} : memref<2x2048xf32, #tpu.memory_space<vmem>>, vector<16xf32>,
        %get3A_342 = arith.index_cast %add3A_284 : i32 to index
        %get3A_343 = arith.constant 80 : index
        %get3A_344 = tpu.vector_load %arg6[%get3A_342, %get3A_343] {strides = array<i32>} : memref<128x128xi32, #tpu.memory_space<vmem>>, vector<16xi32>,
        %gather3A_345 = tpu.vector_load_idx %arg5[%get3A_344] : memref<100000xf32, #tpu.memory_space<vmem>>[vector<16xi32>], vector<16xf32>,
        %mul3A_346 = arith.constant 128 : i32
        %mul3A_347 = arith.muli %add3A_282, %mul3A_346 : i32
        %add3A_348 = arith.constant 80 : i32
        %add3A_349 = arith.addi %mul3A_347, %add3A_348 : i32
        %swap3A_350 = arith.constant 0 : i32
        %swap3A_351 = arith.index_cast %swap3A_350 : i32 to index
        %swap3A_352 = arith.index_cast %add3A_349 : i32 to index
        %swap3A_353 = tpu.vector_load %arg7[%swap3A_351, %swap3A_352] {strides = array<i32>} : memref<2x2048xf32, #tpu.memory_space<vmem>>, vector<16xf32>,
        tpu.vector_store %arg7[%swap3A_351, %swap3A_352], %gather3A_345 {strides = array<i32>} : memref<2x2048xf32, #tpu.memory_space<vmem>>, vector<16xf32>,
        %get3A_354 = arith.index_cast %add3A_284 : i32 to index
        %get3A_355 = arith.constant 96 : index
        %get3A_356 = tpu.vector_load %arg6[%get3A_354, %get3A_355] {strides = array<i32>} : memref<128x128xi32, #tpu.memory_space<vmem>>, vector<16xi32>,
        %gather3A_357 = tpu.vector_load_idx %arg5[%get3A_356] : memref<100000xf32, #tpu.memory_space<vmem>>[vector<16xi32>], vector<16xf32>,
        %mul3A_358 = arith.constant 128 : i32
        %mul3A_359 = arith.muli %add3A_282, %mul3A_358 : i32
        %add3A_360 = arith.constant 96 : i32
        %add3A_361 = arith.addi %mul3A_359, %add3A_360 : i32
        %swap3A_362 = arith.constant 0 : i32
        %swap3A_363 = arith.index_cast %swap3A_362 : i32 to index
        %swap3A_364 = arith.index_cast %add3A_361 : i32 to index
        %swap3A_365 = tpu.vector_load %arg7[%swap3A_363, %swap3A_364] {strides = array<i32>} : memref<2x2048xf32, #tpu.memory_space<vmem>>, vector<16xf32>,
        tpu.vector_store %arg7[%swap3A_363, %swap3A_364], %gather3A_357 {strides = array<i32>} : memref<2x2048xf32, #tpu.memory_space<vmem>>, vector<16xf32>,
        %get3A_366 = arith.index_cast %add3A_284 : i32 to index
        %get3A_367 = arith.constant 112 : index
        %get3A_368 = tpu.vector_load %arg6[%get3A_366, %get3A_367] {strides = array<i32>} : memref<128x128xi32, #tpu.memory_space<vmem>>, vector<16xi32>,
        %gather3A_369 = tpu.vector_load_idx %arg5[%get3A_368] : memref<100000xf32, #tpu.memory_space<vmem>>[vector<16xi32>], vector<16xf32>,
        %mul3A_370 = arith.constant 128 : i32
        %mul3A_371 = arith.muli %add3A_282, %mul3A_370 : i32
        %add3A_372 = arith.constant 112 : i32
        %add3A_373 = arith.addi %mul3A_371, %add3A_372 : i32
        %swap3A_374 = arith.constant 0 : i32
        %swap3A_375 = arith.index_cast %swap3A_374 : i32 to index
        %swap3A_376 = arith.index_cast %add3A_373 : i32 to index
        %swap3A_377 = tpu.vector_load %arg7[%swap3A_375, %swap3A_376] {strides = array<i32>} : memref<2x2048xf32, #tpu.memory_space<vmem>>, vector<16xf32>,
        tpu.vector_store %arg7[%swap3A_375, %swap3A_376], %gather3A_369 {strides = array<i32>} : memref<2x2048xf32, #tpu.memory_space<vmem>>, vector<16xf32>,
      }
      %scan3A_83 = arith.constant 16 : i32
      %dma_start3A_84 = arith.constant 0 : i32
      %dma_start3A_85 = arith.constant 0 : i32
      %dma_start3A_86 = tpu.memref_slice %arg7[%dma_start3A_84, %dma_start3A_85] : memref<2x2048xf32, #tpu.memory_space<vmem>> -> memref<1x2048xf32, #tpu.memory_space<vmem>>
      %dma_start3A_87 = tpu.memref_squeeze %dma_start3A_86 : memref<1x2048xf32, #tpu.memory_space<vmem>> -> memref<2048xf32, #tpu.memory_space<vmem>>
      %dma_start3A_88 = arith.constant 4096 : i32
      %dma_start3A_89 = tpu.memref_slice %arg4[%add3A_13, %dma_start3A_88] : memref<416x16384xf32, #tpu.memory_space<hbm>> -> memref<1x2048xf32, #tpu.memory_space<hbm>>
      %dma_start3A_90 = tpu.memref_squeeze %dma_start3A_89 : memref<1x2048xf32, #tpu.memory_space<hbm>> -> memref<2048xf32, #tpu.memory_space<hbm>>
      %dma_start3A_91 = arith.constant 4096 : i32
      %dma_start3A_92 = tpu.memref_slice %arg4[%add3A_13, %dma_start3A_91] : memref<416x16384xf32, #tpu.memory_space<hbm>> -> memref<1x2048xf32, #tpu.memory_space<hbm>>
      %dma_start3A_93 = tpu.memref_squeeze %dma_start3A_92 : memref<1x2048xf32, #tpu.memory_space<hbm>> -> memref<2048xf32, #tpu.memory_space<hbm>>
      %dma_start3A_94 = arith.constant 0 : i32
      %dma_start3A_95 = tpu.memref_slice %arg7[%dma_start3A_84, %dma_start3A_94] : memref<2x2048xf32, #tpu.memory_space<vmem>> -> memref<1x2048xf32, #tpu.memory_space<vmem>>
      %dma_start3A_96 = tpu.memref_squeeze %dma_start3A_95 : memref<1x2048xf32, #tpu.memory_space<vmem>> -> memref<2048xf32, #tpu.memory_space<vmem>>
      tpu.enqueue_dma source(%dma_start3A_96 : memref<2048xf32, #tpu.memory_space<vmem>>) target(%dma_start3A_93 : memref<2048xf32, #tpu.memory_space<hbm>>) target_semaphore(%arg8 : memref<!tpu.dma_semaphore, #tpu.memory_space<semaphore_mem>>)
      %dma_wait3A_97 = arith.constant 1 : i32
      %dma_wait3A_98 = arith.constant 0 : i32
      %dma_wait3A_99 = tpu.memref_slice %arg7[%dma_wait3A_97, %dma_wait3A_98] : memref<2x2048xf32, #tpu.memory_space<vmem>> -> memref<1x2048xf32, #tpu.memory_space<vmem>>
      %dma_wait3A_100 = tpu.memref_squeeze %dma_wait3A_99 : memref<1x2048xf32, #tpu.memory_space<vmem>> -> memref<2048xf32, #tpu.memory_space<vmem>>
      %dma_wait3A_101 = arith.constant 0 : i32
      %dma_wait3A_102 = tpu.memref_slice %arg2[%scan3A, %dma_wait3A_101] : memref<416x100000xf32, #tpu.memory_space<hbm>> -> memref<1x2048xf32, #tpu.memory_space<hbm>>
      %dma_wait3A_103 = tpu.memref_squeeze %dma_wait3A_102 : memref<1x2048xf32, #tpu.memory_space<hbm>> -> memref<2048xf32, #tpu.memory_space<hbm>>
      %dma_wait3A_104 = arith.constant 0 : i32
      %dma_wait3A_105 = tpu.memref_slice %arg7[%dma_wait3A_97, %dma_wait3A_104] : memref<2x2048xf32, #tpu.memory_space<vmem>> -> memref<1x2048xf32, #tpu.memory_space<vmem>>
      %dma_wait3A_106 = tpu.memref_squeeze %dma_wait3A_105 : memref<1x2048xf32, #tpu.memory_space<vmem>> -> memref<2048xf32, #tpu.memory_space<vmem>>
      %dma_wait3A_107 = arith.constant 0 : i32
      %dma_wait3A_108 = tpu.memref_slice %arg2[%scan3A, %dma_wait3A_107] : memref<416x100000xf32, #tpu.memory_space<hbm>> -> memref<1x2048xf32, #tpu.memory_space<hbm>>
      %dma_wait3A_109 = tpu.memref_squeeze %dma_wait3A_108 : memref<1x2048xf32, #tpu.memory_space<hbm>> -> memref<2048xf32, #tpu.memory_space<hbm>>
      tpu.wait_dma2 semaphore(%arg8 : memref<!tpu.dma_semaphore, #tpu.memory_space<semaphore_mem>>) src(%dma_wait3A_109 : memref<2048xf32, #tpu.memory_space<hbm>>) dst(%dma_wait3A_106 : memref<2048xf32, #tpu.memory_space<vmem>>)
      %scan3A_110 = arith.constant 0 : i32
      %scan3A_111 = arith.constant 16 : i32
      %scan3A_112 = arith.addi %scan3A_110, %scan3A_111 : i32
      %scan3A_113 = arith.constant 1 : i32
      scf.for %scan3A_278 = %scan3A_110 to %scan3A_112 step %scan3A_113  : i32 {
        %mul3A_279 = arith.constant 1 : i32
        %mul3A_280 = arith.muli %scan3A_278, %mul3A_279 : i32
        %add3A_281 = arith.constant 0 : i32
        %add3A_282 = arith.addi %add3A_281, %mul3A_280 : i32
        %add3A_283 = arith.constant 48 : i32
        %add3A_284 = arith.addi %add3A_283, %add3A_282 : i32
        %get3A = arith.index_cast %add3A_284 : i32 to index
        %get3A_285 = arith.constant 0 : index
        %get3A_286 = tpu.vector_load %arg6[%get3A, %get3A_285] {strides = array<i32>} : memref<128x128xi32, #tpu.memory_space<vmem>>, vector<16xi32>,
        %gather3A = tpu.vector_load_idx %arg5[%get3A_286] : memref<100000xf32, #tpu.memory_space<vmem>>[vector<16xi32>], vector<16xf32>,
        %mul3A_287 = arith.constant 128 : i32
        %mul3A_288 = arith.muli %add3A_282, %mul3A_287 : i32
        %add3A_289 = arith.constant 0 : i32
        %add3A_290 = arith.addi %mul3A_288, %add3A_289 : i32
        %swap3A = arith.constant 1 : i32
        %swap3A_291 = arith.index_cast %swap3A : i32 to index
        %swap3A_292 = arith.index_cast %add3A_290 : i32 to index
        %swap3A_293 = tpu.vector_load %arg7[%swap3A_291, %swap3A_292] {strides = array<i32>} : memref<2x2048xf32, #tpu.memory_space<vmem>>, vector<16xf32>,
        tpu.vector_store %arg7[%swap3A_291, %swap3A_292], %gather3A {strides = array<i32>} : memref<2x2048xf32, #tpu.memory_space<vmem>>, vector<16xf32>,
        %get3A_294 = arith.index_cast %add3A_284 : i32 to index
        %get3A_295 = arith.constant 16 : index
        %get3A_296 = tpu.vector_load %arg6[%get3A_294, %get3A_295] {strides = array<i32>} : memref<128x128xi32, #tpu.memory_space<vmem>>, vector<16xi32>,
        %gather3A_297 = tpu.vector_load_idx %arg5[%get3A_296] : memref<100000xf32, #tpu.memory_space<vmem>>[vector<16xi32>], vector<16xf32>,
        %mul3A_298 = arith.constant 128 : i32
        %mul3A_299 = arith.muli %add3A_282, %mul3A_298 : i32
        %add3A_300 = arith.constant 16 : i32
        %add3A_301 = arith.addi %mul3A_299, %add3A_300 : i32
        %swap3A_302 = arith.constant 1 : i32
        %swap3A_303 = arith.index_cast %swap3A_302 : i32 to index
        %swap3A_304 = arith.index_cast %add3A_301 : i32 to index
        %swap3A_305 = tpu.vector_load %arg7[%swap3A_303, %swap3A_304] {strides = array<i32>} : memref<2x2048xf32, #tpu.memory_space<vmem>>, vector<16xf32>,
        tpu.vector_store %arg7[%swap3A_303, %swap3A_304], %gather3A_297 {strides = array<i32>} : memref<2x2048xf32, #tpu.memory_space<vmem>>, vector<16xf32>,
        %get3A_306 = arith.index_cast %add3A_284 : i32 to index
        %get3A_307 = arith.constant 32 : index
        %get3A_308 = tpu.vector_load %arg6[%get3A_306, %get3A_307] {strides = array<i32>} : memref<128x128xi32, #tpu.memory_space<vmem>>, vector<16xi32>,
        %gather3A_309 = tpu.vector_load_idx %arg5[%get3A_308] : memref<100000xf32, #tpu.memory_space<vmem>>[vector<16xi32>], vector<16xf32>,
        %mul3A_310 = arith.constant 128 : i32
        %mul3A_311 = arith.muli %add3A_282, %mul3A_310 : i32
        %add3A_312 = arith.constant 32 : i32
        %add3A_313 = arith.addi %mul3A_311, %add3A_312 : i32
        %swap3A_314 = arith.constant 1 : i32
        %swap3A_315 = arith.index_cast %swap3A_314 : i32 to index
        %swap3A_316 = arith.index_cast %add3A_313 : i32 to index
        %swap3A_317 = tpu.vector_load %arg7[%swap3A_315, %swap3A_316] {strides = array<i32>} : memref<2x2048xf32, #tpu.memory_space<vmem>>, vector<16xf32>,
        tpu.vector_store %arg7[%swap3A_315, %swap3A_316], %gather3A_309 {strides = array<i32>} : memref<2x2048xf32, #tpu.memory_space<vmem>>, vector<16xf32>,
        %get3A_318 = arith.index_cast %add3A_284 : i32 to index
        %get3A_319 = arith.constant 48 : index
        %get3A_320 = tpu.vector_load %arg6[%get3A_318, %get3A_319] {strides = array<i32>} : memref<128x128xi32, #tpu.memory_space<vmem>>, vector<16xi32>,
        %gather3A_321 = tpu.vector_load_idx %arg5[%get3A_320] : memref<100000xf32, #tpu.memory_space<vmem>>[vector<16xi32>], vector<16xf32>,
        %mul3A_322 = arith.constant 128 : i32
        %mul3A_323 = arith.muli %add3A_282, %mul3A_322 : i32
        %add3A_324 = arith.constant 48 : i32
        %add3A_325 = arith.addi %mul3A_323, %add3A_324 : i32
        %swap3A_326 = arith.constant 1 : i32
        %swap3A_327 = arith.index_cast %swap3A_326 : i32 to index
        %swap3A_328 = arith.index_cast %add3A_325 : i32 to index
        %swap3A_329 = tpu.vector_load %arg7[%swap3A_327, %swap3A_328] {strides = array<i32>} : memref<2x2048xf32, #tpu.memory_space<vmem>>, vector<16xf32>,
        tpu.vector_store %arg7[%swap3A_327, %swap3A_328], %gather3A_321 {strides = array<i32>} : memref<2x2048xf32, #tpu.memory_space<vmem>>, vector<16xf32>,
        %get3A_330 = arith.index_cast %add3A_284 : i32 to index
        %get3A_331 = arith.constant 64 : index
        %get3A_332 = tpu.vector_load %arg6[%get3A_330, %get3A_331] {strides = array<i32>} : memref<128x128xi32, #tpu.memory_space<vmem>>, vector<16xi32>,
        %gather3A_333 = tpu.vector_load_idx %arg5[%get3A_332] : memref<100000xf32, #tpu.memory_space<vmem>>[vector<16xi32>], vector<16xf32>,
        %mul3A_334 = arith.constant 128 : i32
        %mul3A_335 = arith.muli %add3A_282, %mul3A_334 : i32
        %add3A_336 = arith.constant 64 : i32
        %add3A_337 = arith.addi %mul3A_335, %add3A_336 : i32
        %swap3A_338 = arith.constant 1 : i32
        %swap3A_339 = arith.index_cast %swap3A_338 : i32 to index
        %swap3A_340 = arith.index_cast %add3A_337 : i32 to index
        %swap3A_341 = tpu.vector_load %arg7[%swap3A_339, %swap3A_340] {strides = array<i32>} : memref<2x2048xf32, #tpu.memory_space<vmem>>, vector<16xf32>,
        tpu.vector_store %arg7[%swap3A_339, %swap3A_340], %gather3A_333 {strides = array<i32>} : memref<2x2048xf32, #tpu.memory_space<vmem>>, vector<16xf32>,
        %get3A_342 = arith.index_cast %add3A_284 : i32 to index
        %get3A_343 = arith.constant 80 : index
        %get3A_344 = tpu.vector_load %arg6[%get3A_342, %get3A_343] {strides = array<i32>} : memref<128x128xi32, #tpu.memory_space<vmem>>, vector<16xi32>,
        %gather3A_345 = tpu.vector_load_idx %arg5[%get3A_344] : memref<100000xf32, #tpu.memory_space<vmem>>[vector<16xi32>], vector<16xf32>,
        %mul3A_346 = arith.constant 128 : i32
        %mul3A_347 = arith.muli %add3A_282, %mul3A_346 : i32
        %add3A_348 = arith.constant 80 : i32
        %add3A_349 = arith.addi %mul3A_347, %add3A_348 : i32
        %swap3A_350 = arith.constant 1 : i32
        %swap3A_351 = arith.index_cast %swap3A_350 : i32 to index
        %swap3A_352 = arith.index_cast %add3A_349 : i32 to index
        %swap3A_353 = tpu.vector_load %arg7[%swap3A_351, %swap3A_352] {strides = array<i32>} : memref<2x2048xf32, #tpu.memory_space<vmem>>, vector<16xf32>,
        tpu.vector_store %arg7[%swap3A_351, %swap3A_352], %gather3A_345 {strides = array<i32>} : memref<2x2048xf32, #tpu.memory_space<vmem>>, vector<16xf32>,
        %get3A_354 = arith.index_cast %add3A_284 : i32 to index
        %get3A_355 = arith.constant 96 : index
        %get3A_356 = tpu.vector_load %arg6[%get3A_354, %get3A_355] {strides = array<i32>} : memref<128x128xi32, #tpu.memory_space<vmem>>, vector<16xi32>,
        %gather3A_357 = tpu.vector_load_idx %arg5[%get3A_356] : memref<100000xf32, #tpu.memory_space<vmem>>[vector<16xi32>], vector<16xf32>,
        %mul3A_358 = arith.constant 128 : i32
        %mul3A_359 = arith.muli %add3A_282, %mul3A_358 : i32
        %add3A_360 = arith.constant 96 : i32
        %add3A_361 = arith.addi %mul3A_359, %add3A_360 : i32
        %swap3A_362 = arith.constant 1 : i32
        %swap3A_363 = arith.index_cast %swap3A_362 : i32 to index
        %swap3A_364 = arith.index_cast %add3A_361 : i32 to index
        %swap3A_365 = tpu.vector_load %arg7[%swap3A_363, %swap3A_364] {strides = array<i32>} : memref<2x2048xf32, #tpu.memory_space<vmem>>, vector<16xf32>,
        tpu.vector_store %arg7[%swap3A_363, %swap3A_364], %gather3A_357 {strides = array<i32>} : memref<2x2048xf32, #tpu.memory_space<vmem>>, vector<16xf32>,
        %get3A_366 = arith.index_cast %add3A_284 : i32 to index
        %get3A_367 = arith.constant 112 : index
        %get3A_368 = tpu.vector_load %arg6[%get3A_366, %get3A_367] {strides = array<i32>} : memref<128x128xi32, #tpu.memory_space<vmem>>, vector<16xi32>,
        %gather3A_369 = tpu.vector_load_idx %arg5[%get3A_368] : memref<100000xf32, #tpu.memory_space<vmem>>[vector<16xi32>], vector<16xf32>,
        %mul3A_370 = arith.constant 128 : i32
        %mul3A_371 = arith.muli %add3A_282, %mul3A_370 : i32
        %add3A_372 = arith.constant 112 : i32
        %add3A_373 = arith.addi %mul3A_371, %add3A_372 : i32
        %swap3A_374 = arith.constant 1 : i32
        %swap3A_375 = arith.index_cast %swap3A_374 : i32 to index
        %swap3A_376 = arith.index_cast %add3A_373 : i32 to index
        %swap3A_377 = tpu.vector_load %arg7[%swap3A_375, %swap3A_376] {strides = array<i32>} : memref<2x2048xf32, #tpu.memory_space<vmem>>, vector<16xf32>,
        tpu.vector_store %arg7[%swap3A_375, %swap3A_376], %gather3A_369 {strides = array<i32>} : memref<2x2048xf32, #tpu.memory_space<vmem>>, vector<16xf32>,
      }
      %scan3A_114 = arith.constant 16 : i32
      %dma_start3A_115 = arith.constant 1 : i32
      %dma_start3A_116 = arith.constant 0 : i32
      %dma_start3A_117 = tpu.memref_slice %arg7[%dma_start3A_115, %dma_start3A_116] : memref<2x2048xf32, #tpu.memory_space<vmem>> -> memref<1x2048xf32, #tpu.memory_space<vmem>>
      %dma_start3A_118 = tpu.memref_squeeze %dma_start3A_117 : memref<1x2048xf32, #tpu.memory_space<vmem>> -> memref<2048xf32, #tpu.memory_space<vmem>>
      %dma_start3A_119 = arith.constant 6144 : i32
      %dma_start3A_120 = tpu.memref_slice %arg4[%add3A_13, %dma_start3A_119] : memref<416x16384xf32, #tpu.memory_space<hbm>> -> memref<1x2048xf32, #tpu.memory_space<hbm>>
      %dma_start3A_121 = tpu.memref_squeeze %dma_start3A_120 : memref<1x2048xf32, #tpu.memory_space<hbm>> -> memref<2048xf32, #tpu.memory_space<hbm>>
      %dma_start3A_122 = arith.constant 6144 : i32
      %dma_start3A_123 = tpu.memref_slice %arg4[%add3A_13, %dma_start3A_122] : memref<416x16384xf32, #tpu.memory_space<hbm>> -> memref<1x2048xf32, #tpu.memory_space<hbm>>
      %dma_start3A_124 = tpu.memref_squeeze %dma_start3A_123 : memref<1x2048xf32, #tpu.memory_space<hbm>> -> memref<2048xf32, #tpu.memory_space<hbm>>
      %dma_start3A_125 = arith.constant 0 : i32
      %dma_start3A_126 = tpu.memref_slice %arg7[%dma_start3A_115, %dma_start3A_125] : memref<2x2048xf32, #tpu.memory_space<vmem>> -> memref<1x2048xf32, #tpu.memory_space<vmem>>
      %dma_start3A_127 = tpu.memref_squeeze %dma_start3A_126 : memref<1x2048xf32, #tpu.memory_space<vmem>> -> memref<2048xf32, #tpu.memory_space<vmem>>
      tpu.enqueue_dma source(%dma_start3A_127 : memref<2048xf32, #tpu.memory_space<vmem>>) target(%dma_start3A_124 : memref<2048xf32, #tpu.memory_space<hbm>>) target_semaphore(%arg8 : memref<!tpu.dma_semaphore, #tpu.memory_space<semaphore_mem>>)
      %dma_wait3A_128 = arith.constant 0 : i32
      %dma_wait3A_129 = arith.constant 0 : i32
      %dma_wait3A_130 = tpu.memref_slice %arg7[%dma_wait3A_128, %dma_wait3A_129] : memref<2x2048xf32, #tpu.memory_space<vmem>> -> memref<1x2048xf32, #tpu.memory_space<vmem>>
      %dma_wait3A_131 = tpu.memref_squeeze %dma_wait3A_130 : memref<1x2048xf32, #tpu.memory_space<vmem>> -> memref<2048xf32, #tpu.memory_space<vmem>>
      %dma_wait3A_132 = arith.constant 0 : i32
      %dma_wait3A_133 = tpu.memref_slice %arg2[%scan3A, %dma_wait3A_132] : memref<416x100000xf32, #tpu.memory_space<hbm>> -> memref<1x2048xf32, #tpu.memory_space<hbm>>
      %dma_wait3A_134 = tpu.memref_squeeze %dma_wait3A_133 : memref<1x2048xf32, #tpu.memory_space<hbm>> -> memref<2048xf32, #tpu.memory_space<hbm>>
      %dma_wait3A_135 = arith.constant 0 : i32
      %dma_wait3A_136 = tpu.memref_slice %arg7[%dma_wait3A_128, %dma_wait3A_135] : memref<2x2048xf32, #tpu.memory_space<vmem>> -> memref<1x2048xf32, #tpu.memory_space<vmem>>
      %dma_wait3A_137 = tpu.memref_squeeze %dma_wait3A_136 : memref<1x2048xf32, #tpu.memory_space<vmem>> -> memref<2048xf32, #tpu.memory_space<vmem>>
      %dma_wait3A_138 = arith.constant 0 : i32
      %dma_wait3A_139 = tpu.memref_slice %arg2[%scan3A, %dma_wait3A_138] : memref<416x100000xf32, #tpu.memory_space<hbm>> -> memref<1x2048xf32, #tpu.memory_space<hbm>>
      %dma_wait3A_140 = tpu.memref_squeeze %dma_wait3A_139 : memref<1x2048xf32, #tpu.memory_space<hbm>> -> memref<2048xf32, #tpu.memory_space<hbm>>
      tpu.wait_dma2 semaphore(%arg8 : memref<!tpu.dma_semaphore, #tpu.memory_space<semaphore_mem>>) src(%dma_wait3A_140 : memref<2048xf32, #tpu.memory_space<hbm>>) dst(%dma_wait3A_137 : memref<2048xf32, #tpu.memory_space<vmem>>)
      %scan3A_141 = arith.constant 0 : i32
      %scan3A_142 = arith.constant 16 : i32
      %scan3A_143 = arith.addi %scan3A_141, %scan3A_142 : i32
      %scan3A_144 = arith.constant 1 : i32
      scf.for %scan3A_278 = %scan3A_141 to %scan3A_143 step %scan3A_144  : i32 {
        %mul3A_279 = arith.constant 1 : i32
        %mul3A_280 = arith.muli %scan3A_278, %mul3A_279 : i32
        %add3A_281 = arith.constant 0 : i32
        %add3A_282 = arith.addi %add3A_281, %mul3A_280 : i32
        %add3A_283 = arith.constant 64 : i32
        %add3A_284 = arith.addi %add3A_283, %add3A_282 : i32
        %get3A = arith.index_cast %add3A_284 : i32 to index
        %get3A_285 = arith.constant 0 : index
        %get3A_286 = tpu.vector_load %arg6[%get3A, %get3A_285] {strides = array<i32>} : memref<128x128xi32, #tpu.memory_space<vmem>>, vector<16xi32>,
        %gather3A = tpu.vector_load_idx %arg5[%get3A_286] : memref<100000xf32, #tpu.memory_space<vmem>>[vector<16xi32>], vector<16xf32>,
        %mul3A_287 = arith.constant 128 : i32
        %mul3A_288 = arith.muli %add3A_282, %mul3A_287 : i32
        %add3A_289 = arith.constant 0 : i32
        %add3A_290 = arith.addi %mul3A_288, %add3A_289 : i32
        %swap3A = arith.constant 0 : i32
        %swap3A_291 = arith.index_cast %swap3A : i32 to index
        %swap3A_292 = arith.index_cast %add3A_290 : i32 to index
        %swap3A_293 = tpu.vector_load %arg7[%swap3A_291, %swap3A_292] {strides = array<i32>} : memref<2x2048xf32, #tpu.memory_space<vmem>>, vector<16xf32>,
        tpu.vector_store %arg7[%swap3A_291, %swap3A_292], %gather3A {strides = array<i32>} : memref<2x2048xf32, #tpu.memory_space<vmem>>, vector<16xf32>,
        %get3A_294 = arith.index_cast %add3A_284 : i32 to index
        %get3A_295 = arith.constant 16 : index
        %get3A_296 = tpu.vector_load %arg6[%get3A_294, %get3A_295] {strides = array<i32>} : memref<128x128xi32, #tpu.memory_space<vmem>>, vector<16xi32>,
        %gather3A_297 = tpu.vector_load_idx %arg5[%get3A_296] : memref<100000xf32, #tpu.memory_space<vmem>>[vector<16xi32>], vector<16xf32>,
        %mul3A_298 = arith.constant 128 : i32
        %mul3A_299 = arith.muli %add3A_282, %mul3A_298 : i32
        %add3A_300 = arith.constant 16 : i32
        %add3A_301 = arith.addi %mul3A_299, %add3A_300 : i32
        %swap3A_302 = arith.constant 0 : i32
        %swap3A_303 = arith.index_cast %swap3A_302 : i32 to index
        %swap3A_304 = arith.index_cast %add3A_301 : i32 to index
        %swap3A_305 = tpu.vector_load %arg7[%swap3A_303, %swap3A_304] {strides = array<i32>} : memref<2x2048xf32, #tpu.memory_space<vmem>>, vector<16xf32>,
        tpu.vector_store %arg7[%swap3A_303, %swap3A_304], %gather3A_297 {strides = array<i32>} : memref<2x2048xf32, #tpu.memory_space<vmem>>, vector<16xf32>,
        %get3A_306 = arith.index_cast %add3A_284 : i32 to index
        %get3A_307 = arith.constant 32 : index
        %get3A_308 = tpu.vector_load %arg6[%get3A_306, %get3A_307] {strides = array<i32>} : memref<128x128xi32, #tpu.memory_space<vmem>>, vector<16xi32>,
        %gather3A_309 = tpu.vector_load_idx %arg5[%get3A_308] : memref<100000xf32, #tpu.memory_space<vmem>>[vector<16xi32>], vector<16xf32>,
        %mul3A_310 = arith.constant 128 : i32
        %mul3A_311 = arith.muli %add3A_282, %mul3A_310 : i32
        %add3A_312 = arith.constant 32 : i32
        %add3A_313 = arith.addi %mul3A_311, %add3A_312 : i32
        %swap3A_314 = arith.constant 0 : i32
        %swap3A_315 = arith.index_cast %swap3A_314 : i32 to index
        %swap3A_316 = arith.index_cast %add3A_313 : i32 to index
        %swap3A_317 = tpu.vector_load %arg7[%swap3A_315, %swap3A_316] {strides = array<i32>} : memref<2x2048xf32, #tpu.memory_space<vmem>>, vector<16xf32>,
        tpu.vector_store %arg7[%swap3A_315, %swap3A_316], %gather3A_309 {strides = array<i32>} : memref<2x2048xf32, #tpu.memory_space<vmem>>, vector<16xf32>,
        %get3A_318 = arith.index_cast %add3A_284 : i32 to index
        %get3A_319 = arith.constant 48 : index
        %get3A_320 = tpu.vector_load %arg6[%get3A_318, %get3A_319] {strides = array<i32>} : memref<128x128xi32, #tpu.memory_space<vmem>>, vector<16xi32>,
        %gather3A_321 = tpu.vector_load_idx %arg5[%get3A_320] : memref<100000xf32, #tpu.memory_space<vmem>>[vector<16xi32>], vector<16xf32>,
        %mul3A_322 = arith.constant 128 : i32
        %mul3A_323 = arith.muli %add3A_282, %mul3A_322 : i32
        %add3A_324 = arith.constant 48 : i32
        %add3A_325 = arith.addi %mul3A_323, %add3A_324 : i32
        %swap3A_326 = arith.constant 0 : i32
        %swap3A_327 = arith.index_cast %swap3A_326 : i32 to index
        %swap3A_328 = arith.index_cast %add3A_325 : i32 to index
        %swap3A_329 = tpu.vector_load %arg7[%swap3A_327, %swap3A_328] {strides = array<i32>} : memref<2x2048xf32, #tpu.memory_space<vmem>>, vector<16xf32>,
        tpu.vector_store %arg7[%swap3A_327, %swap3A_328], %gather3A_321 {strides = array<i32>} : memref<2x2048xf32, #tpu.memory_space<vmem>>, vector<16xf32>,
        %get3A_330 = arith.index_cast %add3A_284 : i32 to index
        %get3A_331 = arith.constant 64 : index
        %get3A_332 = tpu.vector_load %arg6[%get3A_330, %get3A_331] {strides = array<i32>} : memref<128x128xi32, #tpu.memory_space<vmem>>, vector<16xi32>,
        %gather3A_333 = tpu.vector_load_idx %arg5[%get3A_332] : memref<100000xf32, #tpu.memory_space<vmem>>[vector<16xi32>], vector<16xf32>,
        %mul3A_334 = arith.constant 128 : i32
        %mul3A_335 = arith.muli %add3A_282, %mul3A_334 : i32
        %add3A_336 = arith.constant 64 : i32
        %add3A_337 = arith.addi %mul3A_335, %add3A_336 : i32
        %swap3A_338 = arith.constant 0 : i32
        %swap3A_339 = arith.index_cast %swap3A_338 : i32 to index
        %swap3A_340 = arith.index_cast %add3A_337 : i32 to index
        %swap3A_341 = tpu.vector_load %arg7[%swap3A_339, %swap3A_340] {strides = array<i32>} : memref<2x2048xf32, #tpu.memory_space<vmem>>, vector<16xf32>,
        tpu.vector_store %arg7[%swap3A_339, %swap3A_340], %gather3A_333 {strides = array<i32>} : memref<2x2048xf32, #tpu.memory_space<vmem>>, vector<16xf32>,
        %get3A_342 = arith.index_cast %add3A_284 : i32 to index
        %get3A_343 = arith.constant 80 : index
        %get3A_344 = tpu.vector_load %arg6[%get3A_342, %get3A_343] {strides = array<i32>} : memref<128x128xi32, #tpu.memory_space<vmem>>, vector<16xi32>,
        %gather3A_345 = tpu.vector_load_idx %arg5[%get3A_344] : memref<100000xf32, #tpu.memory_space<vmem>>[vector<16xi32>], vector<16xf32>,
        %mul3A_346 = arith.constant 128 : i32
        %mul3A_347 = arith.muli %add3A_282, %mul3A_346 : i32
        %add3A_348 = arith.constant 80 : i32
        %add3A_349 = arith.addi %mul3A_347, %add3A_348 : i32
        %swap3A_350 = arith.constant 0 : i32
        %swap3A_351 = arith.index_cast %swap3A_350 : i32 to index
        %swap3A_352 = arith.index_cast %add3A_349 : i32 to index
        %swap3A_353 = tpu.vector_load %arg7[%swap3A_351, %swap3A_352] {strides = array<i32>} : memref<2x2048xf32, #tpu.memory_space<vmem>>, vector<16xf32>,
        tpu.vector_store %arg7[%swap3A_351, %swap3A_352], %gather3A_345 {strides = array<i32>} : memref<2x2048xf32, #tpu.memory_space<vmem>>, vector<16xf32>,
        %get3A_354 = arith.index_cast %add3A_284 : i32 to index
        %get3A_355 = arith.constant 96 : index
        %get3A_356 = tpu.vector_load %arg6[%get3A_354, %get3A_355] {strides = array<i32>} : memref<128x128xi32, #tpu.memory_space<vmem>>, vector<16xi32>,
        %gather3A_357 = tpu.vector_load_idx %arg5[%get3A_356] : memref<100000xf32, #tpu.memory_space<vmem>>[vector<16xi32>], vector<16xf32>,
        %mul3A_358 = arith.constant 128 : i32
        %mul3A_359 = arith.muli %add3A_282, %mul3A_358 : i32
        %add3A_360 = arith.constant 96 : i32
        %add3A_361 = arith.addi %mul3A_359, %add3A_360 : i32
        %swap3A_362 = arith.constant 0 : i32
        %swap3A_363 = arith.index_cast %swap3A_362 : i32 to index
        %swap3A_364 = arith.index_cast %add3A_361 : i32 to index
        %swap3A_365 = tpu.vector_load %arg7[%swap3A_363, %swap3A_364] {strides = array<i32>} : memref<2x2048xf32, #tpu.memory_space<vmem>>, vector<16xf32>,
        tpu.vector_store %arg7[%swap3A_363, %swap3A_364], %gather3A_357 {strides = array<i32>} : memref<2x2048xf32, #tpu.memory_space<vmem>>, vector<16xf32>,
        %get3A_366 = arith.index_cast %add3A_284 : i32 to index
        %get3A_367 = arith.constant 112 : index
        %get3A_368 = tpu.vector_load %arg6[%get3A_366, %get3A_367] {strides = array<i32>} : memref<128x128xi32, #tpu.memory_space<vmem>>, vector<16xi32>,
        %gather3A_369 = tpu.vector_load_idx %arg5[%get3A_368] : memref<100000xf32, #tpu.memory_space<vmem>>[vector<16xi32>], vector<16xf32>,
        %mul3A_370 = arith.constant 128 : i32
        %mul3A_371 = arith.muli %add3A_282, %mul3A_370 : i32
        %add3A_372 = arith.constant 112 : i32
        %add3A_373 = arith.addi %mul3A_371, %add3A_372 : i32
        %swap3A_374 = arith.constant 0 : i32
        %swap3A_375 = arith.index_cast %swap3A_374 : i32 to index
        %swap3A_376 = arith.index_cast %add3A_373 : i32 to index
        %swap3A_377 = tpu.vector_load %arg7[%swap3A_375, %swap3A_376] {strides = array<i32>} : memref<2x2048xf32, #tpu.memory_space<vmem>>, vector<16xf32>,
        tpu.vector_store %arg7[%swap3A_375, %swap3A_376], %gather3A_369 {strides = array<i32>} : memref<2x2048xf32, #tpu.memory_space<vmem>>, vector<16xf32>,
      }
      %scan3A_145 = arith.constant 16 : i32
      %dma_start3A_146 = arith.constant 0 : i32
      %dma_start3A_147 = arith.constant 0 : i32
      %dma_start3A_148 = tpu.memref_slice %arg7[%dma_start3A_146, %dma_start3A_147] : memref<2x2048xf32, #tpu.memory_space<vmem>> -> memref<1x2048xf32, #tpu.memory_space<vmem>>
      %dma_start3A_149 = tpu.memref_squeeze %dma_start3A_148 : memref<1x2048xf32, #tpu.memory_space<vmem>> -> memref<2048xf32, #tpu.memory_space<vmem>>
      %dma_start3A_150 = arith.constant 8192 : i32
      %dma_start3A_151 = tpu.memref_slice %arg4[%add3A_13, %dma_start3A_150] : memref<416x16384xf32, #tpu.memory_space<hbm>> -> memref<1x2048xf32, #tpu.memory_space<hbm>>
      %dma_start3A_152 = tpu.memref_squeeze %dma_start3A_151 : memref<1x2048xf32, #tpu.memory_space<hbm>> -> memref<2048xf32, #tpu.memory_space<hbm>>
      %dma_start3A_153 = arith.constant 8192 : i32
      %dma_start3A_154 = tpu.memref_slice %arg4[%add3A_13, %dma_start3A_153] : memref<416x16384xf32, #tpu.memory_space<hbm>> -> memref<1x2048xf32, #tpu.memory_space<hbm>>
      %dma_start3A_155 = tpu.memref_squeeze %dma_start3A_154 : memref<1x2048xf32, #tpu.memory_space<hbm>> -> memref<2048xf32, #tpu.memory_space<hbm>>
      %dma_start3A_156 = arith.constant 0 : i32
      %dma_start3A_157 = tpu.memref_slice %arg7[%dma_start3A_146, %dma_start3A_156] : memref<2x2048xf32, #tpu.memory_space<vmem>> -> memref<1x2048xf32, #tpu.memory_space<vmem>>
      %dma_start3A_158 = tpu.memref_squeeze %dma_start3A_157 : memref<1x2048xf32, #tpu.memory_space<vmem>> -> memref<2048xf32, #tpu.memory_space<vmem>>
      tpu.enqueue_dma source(%dma_start3A_158 : memref<2048xf32, #tpu.memory_space<vmem>>) target(%dma_start3A_155 : memref<2048xf32, #tpu.memory_space<hbm>>) target_semaphore(%arg8 : memref<!tpu.dma_semaphore, #tpu.memory_space<semaphore_mem>>)
      %dma_wait3A_159 = arith.constant 1 : i32
      %dma_wait3A_160 = arith.constant 0 : i32
      %dma_wait3A_161 = tpu.memref_slice %arg7[%dma_wait3A_159, %dma_wait3A_160] : memref<2x2048xf32, #tpu.memory_space<vmem>> -> memref<1x2048xf32, #tpu.memory_space<vmem>>
      %dma_wait3A_162 = tpu.memref_squeeze %dma_wait3A_161 : memref<1x2048xf32, #tpu.memory_space<vmem>> -> memref<2048xf32, #tpu.memory_space<vmem>>
      %dma_wait3A_163 = arith.constant 0 : i32
      %dma_wait3A_164 = tpu.memref_slice %arg2[%scan3A, %dma_wait3A_163] : memref<416x100000xf32, #tpu.memory_space<hbm>> -> memref<1x2048xf32, #tpu.memory_space<hbm>>
      %dma_wait3A_165 = tpu.memref_squeeze %dma_wait3A_164 : memref<1x2048xf32, #tpu.memory_space<hbm>> -> memref<2048xf32, #tpu.memory_space<hbm>>
      %dma_wait3A_166 = arith.constant 0 : i32
      %dma_wait3A_167 = tpu.memref_slice %arg7[%dma_wait3A_159, %dma_wait3A_166] : memref<2x2048xf32, #tpu.memory_space<vmem>> -> memref<1x2048xf32, #tpu.memory_space<vmem>>
      %dma_wait3A_168 = tpu.memref_squeeze %dma_wait3A_167 : memref<1x2048xf32, #tpu.memory_space<vmem>> -> memref<2048xf32, #tpu.memory_space<vmem>>
      %dma_wait3A_169 = arith.constant 0 : i32
      %dma_wait3A_170 = tpu.memref_slice %arg2[%scan3A, %dma_wait3A_169] : memref<416x100000xf32, #tpu.memory_space<hbm>> -> memref<1x2048xf32, #tpu.memory_space<hbm>>
      %dma_wait3A_171 = tpu.memref_squeeze %dma_wait3A_170 : memref<1x2048xf32, #tpu.memory_space<hbm>> -> memref<2048xf32, #tpu.memory_space<hbm>>
      tpu.wait_dma2 semaphore(%arg8 : memref<!tpu.dma_semaphore, #tpu.memory_space<semaphore_mem>>) src(%dma_wait3A_171 : memref<2048xf32, #tpu.memory_space<hbm>>) dst(%dma_wait3A_168 : memref<2048xf32, #tpu.memory_space<vmem>>)
      %scan3A_172 = arith.constant 0 : i32
      %scan3A_173 = arith.constant 16 : i32
      %scan3A_174 = arith.addi %scan3A_172, %scan3A_173 : i32
      %scan3A_175 = arith.constant 1 : i32
      scf.for %scan3A_278 = %scan3A_172 to %scan3A_174 step %scan3A_175  : i32 {
        %mul3A_279 = arith.constant 1 : i32
        %mul3A_280 = arith.muli %scan3A_278, %mul3A_279 : i32
        %add3A_281 = arith.constant 0 : i32
        %add3A_282 = arith.addi %add3A_281, %mul3A_280 : i32
        %add3A_283 = arith.constant 80 : i32
        %add3A_284 = arith.addi %add3A_283, %add3A_282 : i32
        %get3A = arith.index_cast %add3A_284 : i32 to index
        %get3A_285 = arith.constant 0 : index
        %get3A_286 = tpu.vector_load %arg6[%get3A, %get3A_285] {strides = array<i32>} : memref<128x128xi32, #tpu.memory_space<vmem>>, vector<16xi32>,
        %gather3A = tpu.vector_load_idx %arg5[%get3A_286] : memref<100000xf32, #tpu.memory_space<vmem>>[vector<16xi32>], vector<16xf32>,
        %mul3A_287 = arith.constant 128 : i32
        %mul3A_288 = arith.muli %add3A_282, %mul3A_287 : i32
        %add3A_289 = arith.constant 0 : i32
        %add3A_290 = arith.addi %mul3A_288, %add3A_289 : i32
        %swap3A = arith.constant 1 : i32
        %swap3A_291 = arith.index_cast %swap3A : i32 to index
        %swap3A_292 = arith.index_cast %add3A_290 : i32 to index
        %swap3A_293 = tpu.vector_load %arg7[%swap3A_291, %swap3A_292] {strides = array<i32>} : memref<2x2048xf32, #tpu.memory_space<vmem>>, vector<16xf32>,
        tpu.vector_store %arg7[%swap3A_291, %swap3A_292], %gather3A {strides = array<i32>} : memref<2x2048xf32, #tpu.memory_space<vmem>>, vector<16xf32>,
        %get3A_294 = arith.index_cast %add3A_284 : i32 to index
        %get3A_295 = arith.constant 16 : index
        %get3A_296 = tpu.vector_load %arg6[%get3A_294, %get3A_295] {strides = array<i32>} : memref<128x128xi32, #tpu.memory_space<vmem>>, vector<16xi32>,
        %gather3A_297 = tpu.vector_load_idx %arg5[%get3A_296] : memref<100000xf32, #tpu.memory_space<vmem>>[vector<16xi32>], vector<16xf32>,
        %mul3A_298 = arith.constant 128 : i32
        %mul3A_299 = arith.muli %add3A_282, %mul3A_298 : i32
        %add3A_300 = arith.constant 16 : i32
        %add3A_301 = arith.addi %mul3A_299, %add3A_300 : i32
        %swap3A_302 = arith.constant 1 : i32
        %swap3A_303 = arith.index_cast %swap3A_302 : i32 to index
        %swap3A_304 = arith.index_cast %add3A_301 : i32 to index
        %swap3A_305 = tpu.vector_load %arg7[%swap3A_303, %swap3A_304] {strides = array<i32>} : memref<2x2048xf32, #tpu.memory_space<vmem>>, vector<16xf32>,
        tpu.vector_store %arg7[%swap3A_303, %swap3A_304], %gather3A_297 {strides = array<i32>} : memref<2x2048xf32, #tpu.memory_space<vmem>>, vector<16xf32>,
        %get3A_306 = arith.index_cast %add3A_284 : i32 to index
        %get3A_307 = arith.constant 32 : index
        %get3A_308 = tpu.vector_load %arg6[%get3A_306, %get3A_307] {strides = array<i32>} : memref<128x128xi32, #tpu.memory_space<vmem>>, vector<16xi32>,
        %gather3A_309 = tpu.vector_load_idx %arg5[%get3A_308] : memref<100000xf32, #tpu.memory_space<vmem>>[vector<16xi32>], vector<16xf32>,
        %mul3A_310 = arith.constant 128 : i32
        %mul3A_311 = arith.muli %add3A_282, %mul3A_310 : i32
        %add3A_312 = arith.constant 32 : i32
        %add3A_313 = arith.addi %mul3A_311, %add3A_312 : i32
        %swap3A_314 = arith.constant 1 : i32
        %swap3A_315 = arith.index_cast %swap3A_314 : i32 to index
        %swap3A_316 = arith.index_cast %add3A_313 : i32 to index
        %swap3A_317 = tpu.vector_load %arg7[%swap3A_315, %swap3A_316] {strides = array<i32>} : memref<2x2048xf32, #tpu.memory_space<vmem>>, vector<16xf32>,
        tpu.vector_store %arg7[%swap3A_315, %swap3A_316], %gather3A_309 {strides = array<i32>} : memref<2x2048xf32, #tpu.memory_space<vmem>>, vector<16xf32>,
        %get3A_318 = arith.index_cast %add3A_284 : i32 to index
        %get3A_319 = arith.constant 48 : index
        %get3A_320 = tpu.vector_load %arg6[%get3A_318, %get3A_319] {strides = array<i32>} : memref<128x128xi32, #tpu.memory_space<vmem>>, vector<16xi32>,
        %gather3A_321 = tpu.vector_load_idx %arg5[%get3A_320] : memref<100000xf32, #tpu.memory_space<vmem>>[vector<16xi32>], vector<16xf32>,
        %mul3A_322 = arith.constant 128 : i32
        %mul3A_323 = arith.muli %add3A_282, %mul3A_322 : i32
        %add3A_324 = arith.constant 48 : i32
        %add3A_325 = arith.addi %mul3A_323, %add3A_324 : i32
        %swap3A_326 = arith.constant 1 : i32
        %swap3A_327 = arith.index_cast %swap3A_326 : i32 to index
        %swap3A_328 = arith.index_cast %add3A_325 : i32 to index
        %swap3A_329 = tpu.vector_load %arg7[%swap3A_327, %swap3A_328] {strides = array<i32>} : memref<2x2048xf32, #tpu.memory_space<vmem>>, vector<16xf32>,
        tpu.vector_store %arg7[%swap3A_327, %swap3A_328], %gather3A_321 {strides = array<i32>} : memref<2x2048xf32, #tpu.memory_space<vmem>>, vector<16xf32>,
        %get3A_330 = arith.index_cast %add3A_284 : i32 to index
        %get3A_331 = arith.constant 64 : index
        %get3A_332 = tpu.vector_load %arg6[%get3A_330, %get3A_331] {strides = array<i32>} : memref<128x128xi32, #tpu.memory_space<vmem>>, vector<16xi32>,
        %gather3A_333 = tpu.vector_load_idx %arg5[%get3A_332] : memref<100000xf32, #tpu.memory_space<vmem>>[vector<16xi32>], vector<16xf32>,
        %mul3A_334 = arith.constant 128 : i32
        %mul3A_335 = arith.muli %add3A_282, %mul3A_334 : i32
        %add3A_336 = arith.constant 64 : i32
        %add3A_337 = arith.addi %mul3A_335, %add3A_336 : i32
        %swap3A_338 = arith.constant 1 : i32
        %swap3A_339 = arith.index_cast %swap3A_338 : i32 to index
        %swap3A_340 = arith.index_cast %add3A_337 : i32 to index
        %swap3A_341 = tpu.vector_load %arg7[%swap3A_339, %swap3A_340] {strides = array<i32>} : memref<2x2048xf32, #tpu.memory_space<vmem>>, vector<16xf32>,
        tpu.vector_store %arg7[%swap3A_339, %swap3A_340], %gather3A_333 {strides = array<i32>} : memref<2x2048xf32, #tpu.memory_space<vmem>>, vector<16xf32>,
        %get3A_342 = arith.index_cast %add3A_284 : i32 to index
        %get3A_343 = arith.constant 80 : index
        %get3A_344 = tpu.vector_load %arg6[%get3A_342, %get3A_343] {strides = array<i32>} : memref<128x128xi32, #tpu.memory_space<vmem>>, vector<16xi32>,
        %gather3A_345 = tpu.vector_load_idx %arg5[%get3A_344] : memref<100000xf32, #tpu.memory_space<vmem>>[vector<16xi32>], vector<16xf32>,
        %mul3A_346 = arith.constant 128 : i32
        %mul3A_347 = arith.muli %add3A_282, %mul3A_346 : i32
        %add3A_348 = arith.constant 80 : i32
        %add3A_349 = arith.addi %mul3A_347, %add3A_348 : i32
        %swap3A_350 = arith.constant 1 : i32
        %swap3A_351 = arith.index_cast %swap3A_350 : i32 to index
        %swap3A_352 = arith.index_cast %add3A_349 : i32 to index
        %swap3A_353 = tpu.vector_load %arg7[%swap3A_351, %swap3A_352] {strides = array<i32>} : memref<2x2048xf32, #tpu.memory_space<vmem>>, vector<16xf32>,
        tpu.vector_store %arg7[%swap3A_351, %swap3A_352], %gather3A_345 {strides = array<i32>} : memref<2x2048xf32, #tpu.memory_space<vmem>>, vector<16xf32>,
        %get3A_354 = arith.index_cast %add3A_284 : i32 to index
        %get3A_355 = arith.constant 96 : index
        %get3A_356 = tpu.vector_load %arg6[%get3A_354, %get3A_355] {strides = array<i32>} : memref<128x128xi32, #tpu.memory_space<vmem>>, vector<16xi32>,
        %gather3A_357 = tpu.vector_load_idx %arg5[%get3A_356] : memref<100000xf32, #tpu.memory_space<vmem>>[vector<16xi32>], vector<16xf32>,
        %mul3A_358 = arith.constant 128 : i32
        %mul3A_359 = arith.muli %add3A_282, %mul3A_358 : i32
        %add3A_360 = arith.constant 96 : i32
        %add3A_361 = arith.addi %mul3A_359, %add3A_360 : i32
        %swap3A_362 = arith.constant 1 : i32
        %swap3A_363 = arith.index_cast %swap3A_362 : i32 to index
        %swap3A_364 = arith.index_cast %add3A_361 : i32 to index
        %swap3A_365 = tpu.vector_load %arg7[%swap3A_363, %swap3A_364] {strides = array<i32>} : memref<2x2048xf32, #tpu.memory_space<vmem>>, vector<16xf32>,
        tpu.vector_store %arg7[%swap3A_363, %swap3A_364], %gather3A_357 {strides = array<i32>} : memref<2x2048xf32, #tpu.memory_space<vmem>>, vector<16xf32>,
        %get3A_366 = arith.index_cast %add3A_284 : i32 to index
        %get3A_367 = arith.constant 112 : index
        %get3A_368 = tpu.vector_load %arg6[%get3A_366, %get3A_367] {strides = array<i32>} : memref<128x128xi32, #tpu.memory_space<vmem>>, vector<16xi32>,
        %gather3A_369 = tpu.vector_load_idx %arg5[%get3A_368] : memref<100000xf32, #tpu.memory_space<vmem>>[vector<16xi32>], vector<16xf32>,
        %mul3A_370 = arith.constant 128 : i32
        %mul3A_371 = arith.muli %add3A_282, %mul3A_370 : i32
        %add3A_372 = arith.constant 112 : i32
        %add3A_373 = arith.addi %mul3A_371, %add3A_372 : i32
        %swap3A_374 = arith.constant 1 : i32
        %swap3A_375 = arith.index_cast %swap3A_374 : i32 to index
        %swap3A_376 = arith.index_cast %add3A_373 : i32 to index
        %swap3A_377 = tpu.vector_load %arg7[%swap3A_375, %swap3A_376] {strides = array<i32>} : memref<2x2048xf32, #tpu.memory_space<vmem>>, vector<16xf32>,
        tpu.vector_store %arg7[%swap3A_375, %swap3A_376], %gather3A_369 {strides = array<i32>} : memref<2x2048xf32, #tpu.memory_space<vmem>>, vector<16xf32>,
      }
      %scan3A_176 = arith.constant 16 : i32
      %dma_start3A_177 = arith.constant 1 : i32
      %dma_start3A_178 = arith.constant 0 : i32
      %dma_start3A_179 = tpu.memref_slice %arg7[%dma_start3A_177, %dma_start3A_178] : memref<2x2048xf32, #tpu.memory_space<vmem>> -> memref<1x2048xf32, #tpu.memory_space<vmem>>
      %dma_start3A_180 = tpu.memref_squeeze %dma_start3A_179 : memref<1x2048xf32, #tpu.memory_space<vmem>> -> memref<2048xf32, #tpu.memory_space<vmem>>
      %dma_start3A_181 = arith.constant 10240 : i32
      %dma_start3A_182 = tpu.memref_slice %arg4[%add3A_13, %dma_start3A_181] : memref<416x16384xf32, #tpu.memory_space<hbm>> -> memref<1x2048xf32, #tpu.memory_space<hbm>>
      %dma_start3A_183 = tpu.memref_squeeze %dma_start3A_182 : memref<1x2048xf32, #tpu.memory_space<hbm>> -> memref<2048xf32, #tpu.memory_space<hbm>>
      %dma_start3A_184 = arith.constant 10240 : i32
      %dma_start3A_185 = tpu.memref_slice %arg4[%add3A_13, %dma_start3A_184] : memref<416x16384xf32, #tpu.memory_space<hbm>> -> memref<1x2048xf32, #tpu.memory_space<hbm>>
      %dma_start3A_186 = tpu.memref_squeeze %dma_start3A_185 : memref<1x2048xf32, #tpu.memory_space<hbm>> -> memref<2048xf32, #tpu.memory_space<hbm>>
      %dma_start3A_187 = arith.constant 0 : i32
      %dma_start3A_188 = tpu.memref_slice %arg7[%dma_start3A_177, %dma_start3A_187] : memref<2x2048xf32, #tpu.memory_space<vmem>> -> memref<1x2048xf32, #tpu.memory_space<vmem>>
      %dma_start3A_189 = tpu.memref_squeeze %dma_start3A_188 : memref<1x2048xf32, #tpu.memory_space<vmem>> -> memref<2048xf32, #tpu.memory_space<vmem>>
      tpu.enqueue_dma source(%dma_start3A_189 : memref<2048xf32, #tpu.memory_space<vmem>>) target(%dma_start3A_186 : memref<2048xf32, #tpu.memory_space<hbm>>) target_semaphore(%arg8 : memref<!tpu.dma_semaphore, #tpu.memory_space<semaphore_mem>>)
      %dma_wait3A_190 = arith.constant 0 : i32
      %dma_wait3A_191 = arith.constant 0 : i32
      %dma_wait3A_192 = tpu.memref_slice %arg7[%dma_wait3A_190, %dma_wait3A_191] : memref<2x2048xf32, #tpu.memory_space<vmem>> -> memref<1x2048xf32, #tpu.memory_space<vmem>>
      %dma_wait3A_193 = tpu.memref_squeeze %dma_wait3A_192 : memref<1x2048xf32, #tpu.memory_space<vmem>> -> memref<2048xf32, #tpu.memory_space<vmem>>
      %dma_wait3A_194 = arith.constant 0 : i32
      %dma_wait3A_195 = tpu.memref_slice %arg2[%scan3A, %dma_wait3A_194] : memref<416x100000xf32, #tpu.memory_space<hbm>> -> memref<1x2048xf32, #tpu.memory_space<hbm>>
      %dma_wait3A_196 = tpu.memref_squeeze %dma_wait3A_195 : memref<1x2048xf32, #tpu.memory_space<hbm>> -> memref<2048xf32, #tpu.memory_space<hbm>>
      %dma_wait3A_197 = arith.constant 0 : i32
      %dma_wait3A_198 = tpu.memref_slice %arg7[%dma_wait3A_190, %dma_wait3A_197] : memref<2x2048xf32, #tpu.memory_space<vmem>> -> memref<1x2048xf32, #tpu.memory_space<vmem>>
      %dma_wait3A_199 = tpu.memref_squeeze %dma_wait3A_198 : memref<1x2048xf32, #tpu.memory_space<vmem>> -> memref<2048xf32, #tpu.memory_space<vmem>>
      %dma_wait3A_200 = arith.constant 0 : i32
      %dma_wait3A_201 = tpu.memref_slice %arg2[%scan3A, %dma_wait3A_200] : memref<416x100000xf32, #tpu.memory_space<hbm>> -> memref<1x2048xf32, #tpu.memory_space<hbm>>
      %dma_wait3A_202 = tpu.memref_squeeze %dma_wait3A_201 : memref<1x2048xf32, #tpu.memory_space<hbm>> -> memref<2048xf32, #tpu.memory_space<hbm>>
      tpu.wait_dma2 semaphore(%arg8 : memref<!tpu.dma_semaphore, #tpu.memory_space<semaphore_mem>>) src(%dma_wait3A_202 : memref<2048xf32, #tpu.memory_space<hbm>>) dst(%dma_wait3A_199 : memref<2048xf32, #tpu.memory_space<vmem>>)
      %scan3A_203 = arith.constant 0 : i32
      %scan3A_204 = arith.constant 16 : i32
      %scan3A_205 = arith.addi %scan3A_203, %scan3A_204 : i32
      %scan3A_206 = arith.constant 1 : i32
      scf.for %scan3A_278 = %scan3A_203 to %scan3A_205 step %scan3A_206  : i32 {
        %mul3A_279 = arith.constant 1 : i32
        %mul3A_280 = arith.muli %scan3A_278, %mul3A_279 : i32
        %add3A_281 = arith.constant 0 : i32
        %add3A_282 = arith.addi %add3A_281, %mul3A_280 : i32
        %add3A_283 = arith.constant 96 : i32
        %add3A_284 = arith.addi %add3A_283, %add3A_282 : i32
        %get3A = arith.index_cast %add3A_284 : i32 to index
        %get3A_285 = arith.constant 0 : index
        %get3A_286 = tpu.vector_load %arg6[%get3A, %get3A_285] {strides = array<i32>} : memref<128x128xi32, #tpu.memory_space<vmem>>, vector<16xi32>,
        %gather3A = tpu.vector_load_idx %arg5[%get3A_286] : memref<100000xf32, #tpu.memory_space<vmem>>[vector<16xi32>], vector<16xf32>,
        %mul3A_287 = arith.constant 128 : i32
        %mul3A_288 = arith.muli %add3A_282, %mul3A_287 : i32
        %add3A_289 = arith.constant 0 : i32
        %add3A_290 = arith.addi %mul3A_288, %add3A_289 : i32
        %swap3A = arith.constant 0 : i32
        %swap3A_291 = arith.index_cast %swap3A : i32 to index
        %swap3A_292 = arith.index_cast %add3A_290 : i32 to index
        %swap3A_293 = tpu.vector_load %arg7[%swap3A_291, %swap3A_292] {strides = array<i32>} : memref<2x2048xf32, #tpu.memory_space<vmem>>, vector<16xf32>,
        tpu.vector_store %arg7[%swap3A_291, %swap3A_292], %gather3A {strides = array<i32>} : memref<2x2048xf32, #tpu.memory_space<vmem>>, vector<16xf32>,
        %get3A_294 = arith.index_cast %add3A_284 : i32 to index
        %get3A_295 = arith.constant 16 : index
        %get3A_296 = tpu.vector_load %arg6[%get3A_294, %get3A_295] {strides = array<i32>} : memref<128x128xi32, #tpu.memory_space<vmem>>, vector<16xi32>,
        %gather3A_297 = tpu.vector_load_idx %arg5[%get3A_296] : memref<100000xf32, #tpu.memory_space<vmem>>[vector<16xi32>], vector<16xf32>,
        %mul3A_298 = arith.constant 128 : i32
        %mul3A_299 = arith.muli %add3A_282, %mul3A_298 : i32
        %add3A_300 = arith.constant 16 : i32
        %add3A_301 = arith.addi %mul3A_299, %add3A_300 : i32
        %swap3A_302 = arith.constant 0 : i32
        %swap3A_303 = arith.index_cast %swap3A_302 : i32 to index
        %swap3A_304 = arith.index_cast %add3A_301 : i32 to index
        %swap3A_305 = tpu.vector_load %arg7[%swap3A_303, %swap3A_304] {strides = array<i32>} : memref<2x2048xf32, #tpu.memory_space<vmem>>, vector<16xf32>,
        tpu.vector_store %arg7[%swap3A_303, %swap3A_304], %gather3A_297 {strides = array<i32>} : memref<2x2048xf32, #tpu.memory_space<vmem>>, vector<16xf32>,
        %get3A_306 = arith.index_cast %add3A_284 : i32 to index
        %get3A_307 = arith.constant 32 : index
        %get3A_308 = tpu.vector_load %arg6[%get3A_306, %get3A_307] {strides = array<i32>} : memref<128x128xi32, #tpu.memory_space<vmem>>, vector<16xi32>,
        %gather3A_309 = tpu.vector_load_idx %arg5[%get3A_308] : memref<100000xf32, #tpu.memory_space<vmem>>[vector<16xi32>], vector<16xf32>,
        %mul3A_310 = arith.constant 128 : i32
        %mul3A_311 = arith.muli %add3A_282, %mul3A_310 : i32
        %add3A_312 = arith.constant 32 : i32
        %add3A_313 = arith.addi %mul3A_311, %add3A_312 : i32
        %swap3A_314 = arith.constant 0 : i32
        %swap3A_315 = arith.index_cast %swap3A_314 : i32 to index
        %swap3A_316 = arith.index_cast %add3A_313 : i32 to index
        %swap3A_317 = tpu.vector_load %arg7[%swap3A_315, %swap3A_316] {strides = array<i32>} : memref<2x2048xf32, #tpu.memory_space<vmem>>, vector<16xf32>,
        tpu.vector_store %arg7[%swap3A_315, %swap3A_316], %gather3A_309 {strides = array<i32>} : memref<2x2048xf32, #tpu.memory_space<vmem>>, vector<16xf32>,
        %get3A_318 = arith.index_cast %add3A_284 : i32 to index
        %get3A_319 = arith.constant 48 : index
        %get3A_320 = tpu.vector_load %arg6[%get3A_318, %get3A_319] {strides = array<i32>} : memref<128x128xi32, #tpu.memory_space<vmem>>, vector<16xi32>,
        %gather3A_321 = tpu.vector_load_idx %arg5[%get3A_320] : memref<100000xf32, #tpu.memory_space<vmem>>[vector<16xi32>], vector<16xf32>,
        %mul3A_322 = arith.constant 128 : i32
        %mul3A_323 = arith.muli %add3A_282, %mul3A_322 : i32
        %add3A_324 = arith.constant 48 : i32
        %add3A_325 = arith.addi %mul3A_323, %add3A_324 : i32
        %swap3A_326 = arith.constant 0 : i32
        %swap3A_327 = arith.index_cast %swap3A_326 : i32 to index
        %swap3A_328 = arith.index_cast %add3A_325 : i32 to index
        %swap3A_329 = tpu.vector_load %arg7[%swap3A_327, %swap3A_328] {strides = array<i32>} : memref<2x2048xf32, #tpu.memory_space<vmem>>, vector<16xf32>,
        tpu.vector_store %arg7[%swap3A_327, %swap3A_328], %gather3A_321 {strides = array<i32>} : memref<2x2048xf32, #tpu.memory_space<vmem>>, vector<16xf32>,
        %get3A_330 = arith.index_cast %add3A_284 : i32 to index
        %get3A_331 = arith.constant 64 : index
        %get3A_332 = tpu.vector_load %arg6[%get3A_330, %get3A_331] {strides = array<i32>} : memref<128x128xi32, #tpu.memory_space<vmem>>, vector<16xi32>,
        %gather3A_333 = tpu.vector_load_idx %arg5[%get3A_332] : memref<100000xf32, #tpu.memory_space<vmem>>[vector<16xi32>], vector<16xf32>,
        %mul3A_334 = arith.constant 128 : i32
        %mul3A_335 = arith.muli %add3A_282, %mul3A_334 : i32
        %add3A_336 = arith.constant 64 : i32
        %add3A_337 = arith.addi %mul3A_335, %add3A_336 : i32
        %swap3A_338 = arith.constant 0 : i32
        %swap3A_339 = arith.index_cast %swap3A_338 : i32 to index
        %swap3A_340 = arith.index_cast %add3A_337 : i32 to index
        %swap3A_341 = tpu.vector_load %arg7[%swap3A_339, %swap3A_340] {strides = array<i32>} : memref<2x2048xf32, #tpu.memory_space<vmem>>, vector<16xf32>,
        tpu.vector_store %arg7[%swap3A_339, %swap3A_340], %gather3A_333 {strides = array<i32>} : memref<2x2048xf32, #tpu.memory_space<vmem>>, vector<16xf32>,
        %get3A_342 = arith.index_cast %add3A_284 : i32 to index
        %get3A_343 = arith.constant 80 : index
        %get3A_344 = tpu.vector_load %arg6[%get3A_342, %get3A_343] {strides = array<i32>} : memref<128x128xi32, #tpu.memory_space<vmem>>, vector<16xi32>,
        %gather3A_345 = tpu.vector_load_idx %arg5[%get3A_344] : memref<100000xf32, #tpu.memory_space<vmem>>[vector<16xi32>], vector<16xf32>,
        %mul3A_346 = arith.constant 128 : i32
        %mul3A_347 = arith.muli %add3A_282, %mul3A_346 : i32
        %add3A_348 = arith.constant 80 : i32
        %add3A_349 = arith.addi %mul3A_347, %add3A_348 : i32
        %swap3A_350 = arith.constant 0 : i32
        %swap3A_351 = arith.index_cast %swap3A_350 : i32 to index
        %swap3A_352 = arith.index_cast %add3A_349 : i32 to index
        %swap3A_353 = tpu.vector_load %arg7[%swap3A_351, %swap3A_352] {strides = array<i32>} : memref<2x2048xf32, #tpu.memory_space<vmem>>, vector<16xf32>,
        tpu.vector_store %arg7[%swap3A_351, %swap3A_352], %gather3A_345 {strides = array<i32>} : memref<2x2048xf32, #tpu.memory_space<vmem>>, vector<16xf32>,
        %get3A_354 = arith.index_cast %add3A_284 : i32 to index
        %get3A_355 = arith.constant 96 : index
        %get3A_356 = tpu.vector_load %arg6[%get3A_354, %get3A_355] {strides = array<i32>} : memref<128x128xi32, #tpu.memory_space<vmem>>, vector<16xi32>,
        %gather3A_357 = tpu.vector_load_idx %arg5[%get3A_356] : memref<100000xf32, #tpu.memory_space<vmem>>[vector<16xi32>], vector<16xf32>,
        %mul3A_358 = arith.constant 128 : i32
        %mul3A_359 = arith.muli %add3A_282, %mul3A_358 : i32
        %add3A_360 = arith.constant 96 : i32
        %add3A_361 = arith.addi %mul3A_359, %add3A_360 : i32
        %swap3A_362 = arith.constant 0 : i32
        %swap3A_363 = arith.index_cast %swap3A_362 : i32 to index
        %swap3A_364 = arith.index_cast %add3A_361 : i32 to index
        %swap3A_365 = tpu.vector_load %arg7[%swap3A_363, %swap3A_364] {strides = array<i32>} : memref<2x2048xf32, #tpu.memory_space<vmem>>, vector<16xf32>,
        tpu.vector_store %arg7[%swap3A_363, %swap3A_364], %gather3A_357 {strides = array<i32>} : memref<2x2048xf32, #tpu.memory_space<vmem>>, vector<16xf32>,
        %get3A_366 = arith.index_cast %add3A_284 : i32 to index
        %get3A_367 = arith.constant 112 : index
        %get3A_368 = tpu.vector_load %arg6[%get3A_366, %get3A_367] {strides = array<i32>} : memref<128x128xi32, #tpu.memory_space<vmem>>, vector<16xi32>,
        %gather3A_369 = tpu.vector_load_idx %arg5[%get3A_368] : memref<100000xf32, #tpu.memory_space<vmem>>[vector<16xi32>], vector<16xf32>,
        %mul3A_370 = arith.constant 128 : i32
        %mul3A_371 = arith.muli %add3A_282, %mul3A_370 : i32
        %add3A_372 = arith.constant 112 : i32
        %add3A_373 = arith.addi %mul3A_371, %add3A_372 : i32
        %swap3A_374 = arith.constant 0 : i32
        %swap3A_375 = arith.index_cast %swap3A_374 : i32 to index
        %swap3A_376 = arith.index_cast %add3A_373 : i32 to index
        %swap3A_377 = tpu.vector_load %arg7[%swap3A_375, %swap3A_376] {strides = array<i32>} : memref<2x2048xf32, #tpu.memory_space<vmem>>, vector<16xf32>,
        tpu.vector_store %arg7[%swap3A_375, %swap3A_376], %gather3A_369 {strides = array<i32>} : memref<2x2048xf32, #tpu.memory_space<vmem>>, vector<16xf32>,
      }
      %scan3A_207 = arith.constant 16 : i32
      %dma_start3A_208 = arith.constant 0 : i32
      %dma_start3A_209 = arith.constant 0 : i32
      %dma_start3A_210 = tpu.memref_slice %arg7[%dma_start3A_208, %dma_start3A_209] : memref<2x2048xf32, #tpu.memory_space<vmem>> -> memref<1x2048xf32, #tpu.memory_space<vmem>>
      %dma_start3A_211 = tpu.memref_squeeze %dma_start3A_210 : memref<1x2048xf32, #tpu.memory_space<vmem>> -> memref<2048xf32, #tpu.memory_space<vmem>>
      %dma_start3A_212 = arith.constant 12288 : i32
      %dma_start3A_213 = tpu.memref_slice %arg4[%add3A_13, %dma_start3A_212] : memref<416x16384xf32, #tpu.memory_space<hbm>> -> memref<1x2048xf32, #tpu.memory_space<hbm>>
      %dma_start3A_214 = tpu.memref_squeeze %dma_start3A_213 : memref<1x2048xf32, #tpu.memory_space<hbm>> -> memref<2048xf32, #tpu.memory_space<hbm>>
      %dma_start3A_215 = arith.constant 12288 : i32
      %dma_start3A_216 = tpu.memref_slice %arg4[%add3A_13, %dma_start3A_215] : memref<416x16384xf32, #tpu.memory_space<hbm>> -> memref<1x2048xf32, #tpu.memory_space<hbm>>
      %dma_start3A_217 = tpu.memref_squeeze %dma_start3A_216 : memref<1x2048xf32, #tpu.memory_space<hbm>> -> memref<2048xf32, #tpu.memory_space<hbm>>
      %dma_start3A_218 = arith.constant 0 : i32
      %dma_start3A_219 = tpu.memref_slice %arg7[%dma_start3A_208, %dma_start3A_218] : memref<2x2048xf32, #tpu.memory_space<vmem>> -> memref<1x2048xf32, #tpu.memory_space<vmem>>
      %dma_start3A_220 = tpu.memref_squeeze %dma_start3A_219 : memref<1x2048xf32, #tpu.memory_space<vmem>> -> memref<2048xf32, #tpu.memory_space<vmem>>
      tpu.enqueue_dma source(%dma_start3A_220 : memref<2048xf32, #tpu.memory_space<vmem>>) target(%dma_start3A_217 : memref<2048xf32, #tpu.memory_space<hbm>>) target_semaphore(%arg8 : memref<!tpu.dma_semaphore, #tpu.memory_space<semaphore_mem>>)
      %dma_wait3A_221 = arith.constant 1 : i32
      %dma_wait3A_222 = arith.constant 0 : i32
      %dma_wait3A_223 = tpu.memref_slice %arg7[%dma_wait3A_221, %dma_wait3A_222] : memref<2x2048xf32, #tpu.memory_space<vmem>> -> memref<1x2048xf32, #tpu.memory_space<vmem>>
      %dma_wait3A_224 = tpu.memref_squeeze %dma_wait3A_223 : memref<1x2048xf32, #tpu.memory_space<vmem>> -> memref<2048xf32, #tpu.memory_space<vmem>>
      %dma_wait3A_225 = arith.constant 0 : i32
      %dma_wait3A_226 = tpu.memref_slice %arg2[%scan3A, %dma_wait3A_225] : memref<416x100000xf32, #tpu.memory_space<hbm>> -> memref<1x2048xf32, #tpu.memory_space<hbm>>
      %dma_wait3A_227 = tpu.memref_squeeze %dma_wait3A_226 : memref<1x2048xf32, #tpu.memory_space<hbm>> -> memref<2048xf32, #tpu.memory_space<hbm>>
      %dma_wait3A_228 = arith.constant 0 : i32
      %dma_wait3A_229 = tpu.memref_slice %arg7[%dma_wait3A_221, %dma_wait3A_228] : memref<2x2048xf32, #tpu.memory_space<vmem>> -> memref<1x2048xf32, #tpu.memory_space<vmem>>
      %dma_wait3A_230 = tpu.memref_squeeze %dma_wait3A_229 : memref<1x2048xf32, #tpu.memory_space<vmem>> -> memref<2048xf32, #tpu.memory_space<vmem>>
      %dma_wait3A_231 = arith.constant 0 : i32
      %dma_wait3A_232 = tpu.memref_slice %arg2[%scan3A, %dma_wait3A_231] : memref<416x100000xf32, #tpu.memory_space<hbm>> -> memref<1x2048xf32, #tpu.memory_space<hbm>>
      %dma_wait3A_233 = tpu.memref_squeeze %dma_wait3A_232 : memref<1x2048xf32, #tpu.memory_space<hbm>> -> memref<2048xf32, #tpu.memory_space<hbm>>
      tpu.wait_dma2 semaphore(%arg8 : memref<!tpu.dma_semaphore, #tpu.memory_space<semaphore_mem>>) src(%dma_wait3A_233 : memref<2048xf32, #tpu.memory_space<hbm>>) dst(%dma_wait3A_230 : memref<2048xf32, #tpu.memory_space<vmem>>)
      %scan3A_234 = arith.constant 0 : i32
      %scan3A_235 = arith.constant 16 : i32
      %scan3A_236 = arith.addi %scan3A_234, %scan3A_235 : i32
      %scan3A_237 = arith.constant 1 : i32
      scf.for %scan3A_278 = %scan3A_234 to %scan3A_236 step %scan3A_237  : i32 {
        %mul3A_279 = arith.constant 1 : i32
        %mul3A_280 = arith.muli %scan3A_278, %mul3A_279 : i32
        %add3A_281 = arith.constant 0 : i32
        %add3A_282 = arith.addi %add3A_281, %mul3A_280 : i32
        %add3A_283 = arith.constant 112 : i32
        %add3A_284 = arith.addi %add3A_283, %add3A_282 : i32
        %get3A = arith.index_cast %add3A_284 : i32 to index
        %get3A_285 = arith.constant 0 : index
        %get3A_286 = tpu.vector_load %arg6[%get3A, %get3A_285] {strides = array<i32>} : memref<128x128xi32, #tpu.memory_space<vmem>>, vector<16xi32>,
        %gather3A = tpu.vector_load_idx %arg5[%get3A_286] : memref<100000xf32, #tpu.memory_space<vmem>>[vector<16xi32>], vector<16xf32>,
        %mul3A_287 = arith.constant 128 : i32
        %mul3A_288 = arith.muli %add3A_282, %mul3A_287 : i32
        %add3A_289 = arith.constant 0 : i32
        %add3A_290 = arith.addi %mul3A_288, %add3A_289 : i32
        %swap3A = arith.constant 1 : i32
        %swap3A_291 = arith.index_cast %swap3A : i32 to index
        %swap3A_292 = arith.index_cast %add3A_290 : i32 to index
        %swap3A_293 = tpu.vector_load %arg7[%swap3A_291, %swap3A_292] {strides = array<i32>} : memref<2x2048xf32, #tpu.memory_space<vmem>>, vector<16xf32>,
        tpu.vector_store %arg7[%swap3A_291, %swap3A_292], %gather3A {strides = array<i32>} : memref<2x2048xf32, #tpu.memory_space<vmem>>, vector<16xf32>,
        %get3A_294 = arith.index_cast %add3A_284 : i32 to index
        %get3A_295 = arith.constant 16 : index
        %get3A_296 = tpu.vector_load %arg6[%get3A_294, %get3A_295] {strides = array<i32>} : memref<128x128xi32, #tpu.memory_space<vmem>>, vector<16xi32>,
        %gather3A_297 = tpu.vector_load_idx %arg5[%get3A_296] : memref<100000xf32, #tpu.memory_space<vmem>>[vector<16xi32>], vector<16xf32>,
        %mul3A_298 = arith.constant 128 : i32
        %mul3A_299 = arith.muli %add3A_282, %mul3A_298 : i32
        %add3A_300 = arith.constant 16 : i32
        %add3A_301 = arith.addi %mul3A_299, %add3A_300 : i32
        %swap3A_302 = arith.constant 1 : i32
        %swap3A_303 = arith.index_cast %swap3A_302 : i32 to index
        %swap3A_304 = arith.index_cast %add3A_301 : i32 to index
        %swap3A_305 = tpu.vector_load %arg7[%swap3A_303, %swap3A_304] {strides = array<i32>} : memref<2x2048xf32, #tpu.memory_space<vmem>>, vector<16xf32>,
        tpu.vector_store %arg7[%swap3A_303, %swap3A_304], %gather3A_297 {strides = array<i32>} : memref<2x2048xf32, #tpu.memory_space<vmem>>, vector<16xf32>,
        %get3A_306 = arith.index_cast %add3A_284 : i32 to index
        %get3A_307 = arith.constant 32 : index
        %get3A_308 = tpu.vector_load %arg6[%get3A_306, %get3A_307] {strides = array<i32>} : memref<128x128xi32, #tpu.memory_space<vmem>>, vector<16xi32>,
        %gather3A_309 = tpu.vector_load_idx %arg5[%get3A_308] : memref<100000xf32, #tpu.memory_space<vmem>>[vector<16xi32>], vector<16xf32>,
        %mul3A_310 = arith.constant 128 : i32
        %mul3A_311 = arith.muli %add3A_282, %mul3A_310 : i32
        %add3A_312 = arith.constant 32 : i32
        %add3A_313 = arith.addi %mul3A_311, %add3A_312 : i32
        %swap3A_314 = arith.constant 1 : i32
        %swap3A_315 = arith.index_cast %swap3A_314 : i32 to index
        %swap3A_316 = arith.index_cast %add3A_313 : i32 to index
        %swap3A_317 = tpu.vector_load %arg7[%swap3A_315, %swap3A_316] {strides = array<i32>} : memref<2x2048xf32, #tpu.memory_space<vmem>>, vector<16xf32>,
        tpu.vector_store %arg7[%swap3A_315, %swap3A_316], %gather3A_309 {strides = array<i32>} : memref<2x2048xf32, #tpu.memory_space<vmem>>, vector<16xf32>,
        %get3A_318 = arith.index_cast %add3A_284 : i32 to index
        %get3A_319 = arith.constant 48 : index
        %get3A_320 = tpu.vector_load %arg6[%get3A_318, %get3A_319] {strides = array<i32>} : memref<128x128xi32, #tpu.memory_space<vmem>>, vector<16xi32>,
        %gather3A_321 = tpu.vector_load_idx %arg5[%get3A_320] : memref<100000xf32, #tpu.memory_space<vmem>>[vector<16xi32>], vector<16xf32>,
        %mul3A_322 = arith.constant 128 : i32
        %mul3A_323 = arith.muli %add3A_282, %mul3A_322 : i32
        %add3A_324 = arith.constant 48 : i32
        %add3A_325 = arith.addi %mul3A_323, %add3A_324 : i32
        %swap3A_326 = arith.constant 1 : i32
        %swap3A_327 = arith.index_cast %swap3A_326 : i32 to index
        %swap3A_328 = arith.index_cast %add3A_325 : i32 to index
        %swap3A_329 = tpu.vector_load %arg7[%swap3A_327, %swap3A_328] {strides = array<i32>} : memref<2x2048xf32, #tpu.memory_space<vmem>>, vector<16xf32>,
        tpu.vector_store %arg7[%swap3A_327, %swap3A_328], %gather3A_321 {strides = array<i32>} : memref<2x2048xf32, #tpu.memory_space<vmem>>, vector<16xf32>,
        %get3A_330 = arith.index_cast %add3A_284 : i32 to index
        %get3A_331 = arith.constant 64 : index
        %get3A_332 = tpu.vector_load %arg6[%get3A_330, %get3A_331] {strides = array<i32>} : memref<128x128xi32, #tpu.memory_space<vmem>>, vector<16xi32>,
        %gather3A_333 = tpu.vector_load_idx %arg5[%get3A_332] : memref<100000xf32, #tpu.memory_space<vmem>>[vector<16xi32>], vector<16xf32>,
        %mul3A_334 = arith.constant 128 : i32
        %mul3A_335 = arith.muli %add3A_282, %mul3A_334 : i32
        %add3A_336 = arith.constant 64 : i32
        %add3A_337 = arith.addi %mul3A_335, %add3A_336 : i32
        %swap3A_338 = arith.constant 1 : i32
        %swap3A_339 = arith.index_cast %swap3A_338 : i32 to index
        %swap3A_340 = arith.index_cast %add3A_337 : i32 to index
        %swap3A_341 = tpu.vector_load %arg7[%swap3A_339, %swap3A_340] {strides = array<i32>} : memref<2x2048xf32, #tpu.memory_space<vmem>>, vector<16xf32>,
        tpu.vector_store %arg7[%swap3A_339, %swap3A_340], %gather3A_333 {strides = array<i32>} : memref<2x2048xf32, #tpu.memory_space<vmem>>, vector<16xf32>,
        %get3A_342 = arith.index_cast %add3A_284 : i32 to index
        %get3A_343 = arith.constant 80 : index
        %get3A_344 = tpu.vector_load %arg6[%get3A_342, %get3A_343] {strides = array<i32>} : memref<128x128xi32, #tpu.memory_space<vmem>>, vector<16xi32>,
        %gather3A_345 = tpu.vector_load_idx %arg5[%get3A_344] : memref<100000xf32, #tpu.memory_space<vmem>>[vector<16xi32>], vector<16xf32>,
        %mul3A_346 = arith.constant 128 : i32
        %mul3A_347 = arith.muli %add3A_282, %mul3A_346 : i32
        %add3A_348 = arith.constant 80 : i32
        %add3A_349 = arith.addi %mul3A_347, %add3A_348 : i32
        %swap3A_350 = arith.constant 1 : i32
        %swap3A_351 = arith.index_cast %swap3A_350 : i32 to index
        %swap3A_352 = arith.index_cast %add3A_349 : i32 to index
        %swap3A_353 = tpu.vector_load %arg7[%swap3A_351, %swap3A_352] {strides = array<i32>} : memref<2x2048xf32, #tpu.memory_space<vmem>>, vector<16xf32>,
        tpu.vector_store %arg7[%swap3A_351, %swap3A_352], %gather3A_345 {strides = array<i32>} : memref<2x2048xf32, #tpu.memory_space<vmem>>, vector<16xf32>,
        %get3A_354 = arith.index_cast %add3A_284 : i32 to index
        %get3A_355 = arith.constant 96 : index
        %get3A_356 = tpu.vector_load %arg6[%get3A_354, %get3A_355] {strides = array<i32>} : memref<128x128xi32, #tpu.memory_space<vmem>>, vector<16xi32>,
        %gather3A_357 = tpu.vector_load_idx %arg5[%get3A_356] : memref<100000xf32, #tpu.memory_space<vmem>>[vector<16xi32>], vector<16xf32>,
        %mul3A_358 = arith.constant 128 : i32
        %mul3A_359 = arith.muli %add3A_282, %mul3A_358 : i32
        %add3A_360 = arith.constant 96 : i32
        %add3A_361 = arith.addi %mul3A_359, %add3A_360 : i32
        %swap3A_362 = arith.constant 1 : i32
        %swap3A_363 = arith.index_cast %swap3A_362 : i32 to index
        %swap3A_364 = arith.index_cast %add3A_361 : i32 to index
        %swap3A_365 = tpu.vector_load %arg7[%swap3A_363, %swap3A_364] {strides = array<i32>} : memref<2x2048xf32, #tpu.memory_space<vmem>>, vector<16xf32>,
        tpu.vector_store %arg7[%swap3A_363, %swap3A_364], %gather3A_357 {strides = array<i32>} : memref<2x2048xf32, #tpu.memory_space<vmem>>, vector<16xf32>,
        %get3A_366 = arith.index_cast %add3A_284 : i32 to index
        %get3A_367 = arith.constant 112 : index
        %get3A_368 = tpu.vector_load %arg6[%get3A_366, %get3A_367] {strides = array<i32>} : memref<128x128xi32, #tpu.memory_space<vmem>>, vector<16xi32>,
        %gather3A_369 = tpu.vector_load_idx %arg5[%get3A_368] : memref<100000xf32, #tpu.memory_space<vmem>>[vector<16xi32>], vector<16xf32>,
        %mul3A_370 = arith.constant 128 : i32
        %mul3A_371 = arith.muli %add3A_282, %mul3A_370 : i32
        %add3A_372 = arith.constant 112 : i32
        %add3A_373 = arith.addi %mul3A_371, %add3A_372 : i32
        %swap3A_374 = arith.constant 1 : i32
        %swap3A_375 = arith.index_cast %swap3A_374 : i32 to index
        %swap3A_376 = arith.index_cast %add3A_373 : i32 to index
        %swap3A_377 = tpu.vector_load %arg7[%swap3A_375, %swap3A_376] {strides = array<i32>} : memref<2x2048xf32, #tpu.memory_space<vmem>>, vector<16xf32>,
        tpu.vector_store %arg7[%swap3A_375, %swap3A_376], %gather3A_369 {strides = array<i32>} : memref<2x2048xf32, #tpu.memory_space<vmem>>, vector<16xf32>,
      }
      %scan3A_238 = arith.constant 16 : i32
      %dma_start3A_239 = arith.constant 1 : i32
      %dma_start3A_240 = arith.constant 0 : i32
      %dma_start3A_241 = tpu.memref_slice %arg7[%dma_start3A_239, %dma_start3A_240] : memref<2x2048xf32, #tpu.memory_space<vmem>> -> memref<1x2048xf32, #tpu.memory_space<vmem>>
      %dma_start3A_242 = tpu.memref_squeeze %dma_start3A_241 : memref<1x2048xf32, #tpu.memory_space<vmem>> -> memref<2048xf32, #tpu.memory_space<vmem>>
      %dma_start3A_243 = arith.constant 14336 : i32
      %dma_start3A_244 = tpu.memref_slice %arg4[%add3A_13, %dma_start3A_243] : memref<416x16384xf32, #tpu.memory_space<hbm>> -> memref<1x2048xf32, #tpu.memory_space<hbm>>
      %dma_start3A_245 = tpu.memref_squeeze %dma_start3A_244 : memref<1x2048xf32, #tpu.memory_space<hbm>> -> memref<2048xf32, #tpu.memory_space<hbm>>
      %dma_start3A_246 = arith.constant 14336 : i32
      %dma_start3A_247 = tpu.memref_slice %arg4[%add3A_13, %dma_start3A_246] : memref<416x16384xf32, #tpu.memory_space<hbm>> -> memref<1x2048xf32, #tpu.memory_space<hbm>>
      %dma_start3A_248 = tpu.memref_squeeze %dma_start3A_247 : memref<1x2048xf32, #tpu.memory_space<hbm>> -> memref<2048xf32, #tpu.memory_space<hbm>>
      %dma_start3A_249 = arith.constant 0 : i32
      %dma_start3A_250 = tpu.memref_slice %arg7[%dma_start3A_239, %dma_start3A_249] : memref<2x2048xf32, #tpu.memory_space<vmem>> -> memref<1x2048xf32, #tpu.memory_space<vmem>>
      %dma_start3A_251 = tpu.memref_squeeze %dma_start3A_250 : memref<1x2048xf32, #tpu.memory_space<vmem>> -> memref<2048xf32, #tpu.memory_space<vmem>>
      tpu.enqueue_dma source(%dma_start3A_251 : memref<2048xf32, #tpu.memory_space<vmem>>) target(%dma_start3A_248 : memref<2048xf32, #tpu.memory_space<hbm>>) target_semaphore(%arg8 : memref<!tpu.dma_semaphore, #tpu.memory_space<semaphore_mem>>)
      %dma_wait3A_252 = arith.constant 0 : i32
      %dma_wait3A_253 = arith.constant 0 : i32
      %dma_wait3A_254 = tpu.memref_slice %arg7[%dma_wait3A_252, %dma_wait3A_253] : memref<2x2048xf32, #tpu.memory_space<vmem>> -> memref<1x2048xf32, #tpu.memory_space<vmem>>
      %dma_wait3A_255 = tpu.memref_squeeze %dma_wait3A_254 : memref<1x2048xf32, #tpu.memory_space<vmem>> -> memref<2048xf32, #tpu.memory_space<vmem>>
      %dma_wait3A_256 = arith.constant 0 : i32
      %dma_wait3A_257 = tpu.memref_slice %arg2[%scan3A, %dma_wait3A_256] : memref<416x100000xf32, #tpu.memory_space<hbm>> -> memref<1x2048xf32, #tpu.memory_space<hbm>>
      %dma_wait3A_258 = tpu.memref_squeeze %dma_wait3A_257 : memref<1x2048xf32, #tpu.memory_space<hbm>> -> memref<2048xf32, #tpu.memory_space<hbm>>
      %dma_wait3A_259 = arith.constant 0 : i32
      %dma_wait3A_260 = tpu.memref_slice %arg7[%dma_wait3A_252, %dma_wait3A_259] : memref<2x2048xf32, #tpu.memory_space<vmem>> -> memref<1x2048xf32, #tpu.memory_space<vmem>>
      %dma_wait3A_261 = tpu.memref_squeeze %dma_wait3A_260 : memref<1x2048xf32, #tpu.memory_space<vmem>> -> memref<2048xf32, #tpu.memory_space<vmem>>
      %dma_wait3A_262 = arith.constant 0 : i32
      %dma_wait3A_263 = tpu.memref_slice %arg2[%scan3A, %dma_wait3A_262] : memref<416x100000xf32, #tpu.memory_space<hbm>> -> memref<1x2048xf32, #tpu.memory_space<hbm>>
      %dma_wait3A_264 = tpu.memref_squeeze %dma_wait3A_263 : memref<1x2048xf32, #tpu.memory_space<hbm>> -> memref<2048xf32, #tpu.memory_space<hbm>>
      tpu.wait_dma2 semaphore(%arg8 : memref<!tpu.dma_semaphore, #tpu.memory_space<semaphore_mem>>) src(%dma_wait3A_264 : memref<2048xf32, #tpu.memory_space<hbm>>) dst(%dma_wait3A_261 : memref<2048xf32, #tpu.memory_space<vmem>>)
      %dma_wait3A_265 = arith.constant 1 : i32
      %dma_wait3A_266 = arith.constant 0 : i32
      %dma_wait3A_267 = tpu.memref_slice %arg7[%dma_wait3A_265, %dma_wait3A_266] : memref<2x2048xf32, #tpu.memory_space<vmem>> -> memref<1x2048xf32, #tpu.memory_space<vmem>>
      %dma_wait3A_268 = tpu.memref_squeeze %dma_wait3A_267 : memref<1x2048xf32, #tpu.memory_space<vmem>> -> memref<2048xf32, #tpu.memory_space<vmem>>
      %dma_wait3A_269 = arith.constant 0 : i32
      %dma_wait3A_270 = tpu.memref_slice %arg2[%scan3A, %dma_wait3A_269] : memref<416x100000xf32, #tpu.memory_space<hbm>> -> memref<1x2048xf32, #tpu.memory_space<hbm>>
      %dma_wait3A_271 = tpu.memref_squeeze %dma_wait3A_270 : memref<1x2048xf32, #tpu.memory_space<hbm>> -> memref<2048xf32, #tpu.memory_space<hbm>>
      %dma_wait3A_272 = arith.constant 0 : i32
      %dma_wait3A_273 = tpu.memref_slice %arg7[%dma_wait3A_265, %dma_wait3A_272] : memref<2x2048xf32, #tpu.memory_space<vmem>> -> memref<1x2048xf32, #tpu.memory_space<vmem>>
      %dma_wait3A_274 = tpu.memref_squeeze %dma_wait3A_273 : memref<1x2048xf32, #tpu.memory_space<vmem>> -> memref<2048xf32, #tpu.memory_space<vmem>>
      %dma_wait3A_275 = arith.constant 0 : i32
      %dma_wait3A_276 = tpu.memref_slice %arg2[%scan3A, %dma_wait3A_275] : memref<416x100000xf32, #tpu.memory_space<hbm>> -> memref<1x2048xf32, #tpu.memory_space<hbm>>
      %dma_wait3A_277 = tpu.memref_squeeze %dma_wait3A_276 : memref<1x2048xf32, #tpu.memory_space<hbm>> -> memref<2048xf32, #tpu.memory_space<hbm>>
      tpu.wait_dma2 semaphore(%arg8 : memref<!tpu.dma_semaphore, #tpu.memory_space<semaphore_mem>>) src(%dma_wait3A_277 : memref<2048xf32, #tpu.memory_space<hbm>>) dst(%dma_wait3A_274 : memref<2048xf32, #tpu.memory_space<vmem>>)
    }
    %scan3A_7 = arith.constant 13 : i32
    return
  }
}

module attributes {stable_mosaic.version = 14 : i64} {
  func.func @_tc_body(%arg0: i32, %arg1: memref<512x13xf32, #tpu.memory_space<vmem>>, %arg2: memref<416x512xf32, #tpu.memory_space<vmem>>, %arg3: memref<13x256xf32, #tpu.memory_space<vmem>>, %arg4: memref<1x256xf32, #tpu.memory_space<vmem>>, %arg5: memref<1x256xf32, #tpu.memory_space<vmem>>, %arg6: memref<1x256xf32, #tpu.memory_space<vmem>>, %arg7: memref<256x128xf32, #tpu.memory_space<vmem>>, %arg8: memref<256x2048xf32, #tpu.memory_space<vmem>>, %arg9: memref<160x1280xf32, #tpu.memory_space<vmem>>, %arg10: memref<1x128xf32, #tpu.memory_space<vmem>>, %arg11: memref<1x3328xf32, #tpu.memory_space<vmem>>, %arg12: memref<27x512x128xf32, #tpu.memory_space<vmem>>) attributes {dimension_semantics = [#tpu.dimension_semantics<parallel>], iteration_bounds = array<i64: 32>, scalar_prefetch = 0 : i64, scratch_operands = 0 : i64, tpu.core_type = #tpu.core_type<tc>, window_params = [{transform_indices = @transform_0, window_bounds = array<i64: 512, 13>}, {transform_indices = @transform_1, window_bounds = array<i64: 416, 512>}, {pipeline_mode = #tpu.pipeline_mode<synchronous>, transform_indices = @transform_2, window_bounds = array<i64: 13, 256>}, {pipeline_mode = #tpu.pipeline_mode<synchronous>, transform_indices = @transform_3, window_bounds = array<i64: 1, 256>}, {pipeline_mode = #tpu.pipeline_mode<synchronous>, transform_indices = @transform_4, window_bounds = array<i64: 1, 256>}, {pipeline_mode = #tpu.pipeline_mode<synchronous>, transform_indices = @transform_5, window_bounds = array<i64: 1, 256>}, {pipeline_mode = #tpu.pipeline_mode<synchronous>, transform_indices = @transform_6, window_bounds = array<i64: 256, 128>}, {pipeline_mode = #tpu.pipeline_mode<synchronous>, transform_indices = @transform_7, window_bounds = array<i64: 256, 2048>}, {pipeline_mode = #tpu.pipeline_mode<synchronous>, transform_indices = @transform_8, window_bounds = array<i64: 160, 1280>}, {pipeline_mode = #tpu.pipeline_mode<synchronous>, transform_indices = @transform_9, window_bounds = array<i64: 1, 128>}, {pipeline_mode = #tpu.pipeline_mode<synchronous>, transform_indices = @transform_10, window_bounds = array<i64: 1, 3328>}, {transform_indices = @transform_11, window_bounds = array<i64: 27, 512, 128>}]} {
    %get3A = arith.constant 0 : index
    %get3A_0 = arith.constant 0 : index
    %get3A_1 = vector.load %arg1[%get3A, %get3A_0] : memref<512x13xf32, #tpu.memory_space<vmem>>, vector<512x13xf32>
    %get3A_2 = arith.constant 0 : index
    %get3A_3 = arith.constant 0 : index
    %get3A_4 = vector.load %arg3[%get3A_2, %get3A_3] : memref<13x256xf32, #tpu.memory_space<vmem>>, vector<13x256xf32>
    %dot_general3A = arith.constant dense<0.000000e+00> : vector<512x256xf32>
    %dot_general3A_5 = tpu.matmul %get3A_1, %get3A_4, %dot_general3A {dimension_numbers = #tpu.dot_dimension_numbers<[1], [0], [0], [1], [0, 0, 1, 1], [], []>, transpose_lhs_hint = false} : vector<512x13xf32>, vector<13x256xf32>, vector<512x256xf32> -> vector<512x256xf32>
    %get3A_6 = arith.constant 0 : index
    %get3A_7 = arith.constant 0 : index
    %get3A_8 = vector.load %arg4[%get3A_6, %get3A_7] : memref<1x256xf32, #tpu.memory_space<vmem>>, vector<1x256xf32>
    %add3A = vector.broadcast %get3A_8 : vector<1x256xf32> to vector<512x256xf32>
    %add3A_9 = arith.addf %dot_general3A_5, %add3A : vector<512x256xf32>
    %reduce_sum3A = arith.constant dense<0.000000e+00> : vector<512xf32>
    %reduce_sum3A_10 = vector.multi_reduction <add>, %add3A_9, %reduce_sum3A [1] : vector<512x256xf32> to vector<512xf32>
    %broadcast_in_dim3A = vector.shape_cast %reduce_sum3A_10 : vector<512xf32> to vector<512x1xf32>
    %div3A = arith.constant 2.560000e+02 : f32
    %div3A_11 = vector.broadcast %div3A : f32 to vector<512x1xf32>
    %div3A_12 = arith.divf %broadcast_in_dim3A, %div3A_11 : vector<512x1xf32>
    %sub3A = vector.broadcast %div3A_12 : vector<512x1xf32> to vector<512x256xf32>
    %sub3A_13 = arith.subf %add3A_9, %sub3A : vector<512x256xf32>
    %mul3A = arith.mulf %sub3A_13, %sub3A_13 : vector<512x256xf32>
    %reduce_sum3A_14 = arith.constant dense<0.000000e+00> : vector<512xf32>
    %reduce_sum3A_15 = vector.multi_reduction <add>, %mul3A, %reduce_sum3A_14 [1] : vector<512x256xf32> to vector<512xf32>
    %broadcast_in_dim3A_16 = vector.shape_cast %reduce_sum3A_15 : vector<512xf32> to vector<512x1xf32>
    %div3A_17 = arith.constant 2.560000e+02 : f32
    %div3A_18 = vector.broadcast %div3A_17 : f32 to vector<512x1xf32>
    %div3A_19 = arith.divf %broadcast_in_dim3A_16, %div3A_18 : vector<512x1xf32>
    %add3A_20 = arith.constant 9.99999974E-6 : f32
    %add3A_21 = vector.broadcast %add3A_20 : f32 to vector<512x1xf32>
    %add3A_22 = arith.addf %div3A_19, %add3A_21 : vector<512x1xf32>
    %rsqrt3A = math.rsqrt %add3A_22 : vector<512x1xf32>
    %mul3A_23 = vector.broadcast %rsqrt3A : vector<512x1xf32> to vector<512x256xf32>
    %mul3A_24 = arith.mulf %sub3A_13, %mul3A_23 : vector<512x256xf32>
    %get3A_25 = arith.constant 0 : index
    %get3A_26 = arith.constant 0 : index
    %get3A_27 = vector.load %arg5[%get3A_25, %get3A_26] : memref<1x256xf32, #tpu.memory_space<vmem>>, vector<1x256xf32>
    %mul3A_28 = vector.broadcast %get3A_27 : vector<1x256xf32> to vector<512x256xf32>
    %mul3A_29 = arith.mulf %mul3A_24, %mul3A_28 : vector<512x256xf32>
    %get3A_30 = arith.constant 0 : index
    %get3A_31 = arith.constant 0 : index
    %get3A_32 = vector.load %arg6[%get3A_30, %get3A_31] : memref<1x256xf32, #tpu.memory_space<vmem>>, vector<1x256xf32>
    %add3A_33 = vector.broadcast %get3A_32 : vector<1x256xf32> to vector<512x256xf32>
    %add3A_34 = arith.addf %mul3A_29, %add3A_33 : vector<512x256xf32>
    %mul3A_35 = arith.constant 5.000000e-01 : f32
    %mul3A_36 = vector.broadcast %mul3A_35 : f32 to vector<512x256xf32>
    %mul3A_37 = arith.mulf %add3A_34, %mul3A_36 : vector<512x256xf32>
    %mul3A_38 = arith.constant 0.707106769 : f32
    %mul3A_39 = vector.broadcast %mul3A_38 : f32 to vector<512x256xf32>
    %mul3A_40 = arith.mulf %add3A_34, %mul3A_39 : vector<512x256xf32>
    %erf3A = math.erf %mul3A_40 : vector<512x256xf32>
    %add3A_41 = arith.constant 1.000000e+00 : f32
    %add3A_42 = vector.broadcast %add3A_41 : f32 to vector<512x256xf32>
    %add3A_43 = arith.addf %add3A_42, %erf3A : vector<512x256xf32>
    %mul3A_44 = arith.mulf %mul3A_37, %add3A_43 : vector<512x256xf32>
    %get3A_45 = arith.constant 0 : index
    %get3A_46 = arith.constant 0 : index
    %get3A_47 = vector.load %arg7[%get3A_45, %get3A_46] : memref<256x128xf32, #tpu.memory_space<vmem>>, vector<256x128xf32>
    %dot_general3A_48 = arith.constant dense<0.000000e+00> : vector<512x128xf32>
    %dot_general3A_49 = tpu.matmul %mul3A_44, %get3A_47, %dot_general3A_48 {dimension_numbers = #tpu.dot_dimension_numbers<[1], [0], [0], [1], [0, 0, 1, 1], [], []>, transpose_lhs_hint = false} : vector<512x256xf32>, vector<256x128xf32>, vector<512x128xf32> -> vector<512x128xf32>
    %get3A_50 = arith.constant 0 : index
    %get3A_51 = arith.constant 0 : index
    %get3A_52 = vector.load %arg2[%get3A_50, %get3A_51] : memref<416x512xf32, #tpu.memory_space<vmem>>, vector<416x512xf32>
    %slice3A = vector.extract_strided_slice %get3A_52 {offsets = [0, 0], sizes = [256, 512], strides = [1, 1]} : vector<416x512xf32> to vector<256x512xf32>
    %get3A_53 = arith.constant 0 : index
    %get3A_54 = arith.constant 0 : index
    %get3A_55 = vector.load %arg8[%get3A_53, %get3A_54] : memref<256x2048xf32, #tpu.memory_space<vmem>>, vector<256x2048xf32>
    %dot_general3A_56 = arith.constant dense<0.000000e+00> : vector<512x2048xf32>
    %dot_general3A_57 = tpu.matmul %slice3A, %get3A_55, %dot_general3A_56 {dimension_numbers = #tpu.dot_dimension_numbers<[0], [0], [1], [1], [0, 1, 1, 1], [], []>, transpose_lhs_hint = false} : vector<256x512xf32>, vector<256x2048xf32>, vector<512x2048xf32> -> vector<512x2048xf32>
    %slice3A_58 = vector.extract_strided_slice %get3A_52 {offsets = [256, 0], sizes = [160, 512], strides = [1, 1]} : vector<416x512xf32> to vector<160x512xf32>
    %get3A_59 = arith.constant 0 : index
    %get3A_60 = arith.constant 0 : index
    %get3A_61 = vector.load %arg9[%get3A_59, %get3A_60] : memref<160x1280xf32, #tpu.memory_space<vmem>>, vector<160x1280xf32>
    %dot_general3A_62 = arith.constant dense<0.000000e+00> : vector<512x1280xf32>
    %dot_general3A_63 = tpu.matmul %slice3A_58, %get3A_61, %dot_general3A_62 {dimension_numbers = #tpu.dot_dimension_numbers<[0], [0], [1], [1], [0, 1, 1, 1], [], []>, transpose_lhs_hint = false} : vector<160x512xf32>, vector<160x1280xf32>, vector<512x1280xf32> -> vector<512x1280xf32>
    %get3A_64 = arith.constant 0 : index
    %get3A_65 = arith.constant 0 : index
    %get3A_66 = vector.load %arg11[%get3A_64, %get3A_65] : memref<1x3328xf32, #tpu.memory_space<vmem>>, vector<1x2048xf32>
    %add3A_67 = vector.broadcast %get3A_66 : vector<1x2048xf32> to vector<512x2048xf32>
    %add3A_68 = arith.addf %dot_general3A_57, %add3A_67 : vector<512x2048xf32>
    %get3A_69 = arith.constant 0 : index
    %get3A_70 = arith.constant 2048 : index
    %get3A_71 = vector.load %arg11[%get3A_69, %get3A_70] : memref<1x3328xf32, #tpu.memory_space<vmem>>, vector<1x1280xf32>
    %add3A_72 = vector.broadcast %get3A_71 : vector<1x1280xf32> to vector<512x1280xf32>
    %add3A_73 = arith.addf %dot_general3A_63, %add3A_72 : vector<512x1280xf32>
    %get3A_74 = arith.constant 0 : index
    %get3A_75 = arith.constant 0 : index
    %get3A_76 = vector.load %arg10[%get3A_74, %get3A_75] : memref<1x128xf32, #tpu.memory_space<vmem>>, vector<1x128xf32>
    %add3A_77 = vector.broadcast %get3A_76 : vector<1x128xf32> to vector<512x128xf32>
    %add3A_78 = arith.addf %dot_general3A_49, %add3A_77 : vector<512x128xf32>
    %swap3A = arith.constant 0 : index
    %swap3A_79 = arith.constant 0 : index
    %swap3A_80 = arith.constant 0 : index
    %swap3A_81 = vector.load %arg12[%swap3A, %swap3A_79, %swap3A_80] : memref<27x512x128xf32, #tpu.memory_space<vmem>>, vector<1x512x128xf32>
    %swap3A_82 = vector.shape_cast %swap3A_81 : vector<1x512x128xf32> to vector<512x128xf32>
    %swap3A_83 = vector.shape_cast %add3A_78 : vector<512x128xf32> to vector<1x512x128xf32>
    tpu.vector_store %arg12[%swap3A, %swap3A_79, %swap3A_80], %swap3A_83 {strides = array<i32>} : memref<27x512x128xf32, #tpu.memory_space<vmem>>, vector<1x512x128xf32>,
    %slice3A_84 = vector.extract_strided_slice %add3A_68 {offsets = [0, 0], sizes = [512, 128], strides = [1, 1]} : vector<512x2048xf32> to vector<512x128xf32>
    %swap3A_85 = arith.constant 1 : index
    %swap3A_86 = arith.constant 0 : index
    %swap3A_87 = arith.constant 0 : index
    %swap3A_88 = vector.load %arg12[%swap3A_85, %swap3A_86, %swap3A_87] : memref<27x512x128xf32, #tpu.memory_space<vmem>>, vector<1x512x128xf32>
    %swap3A_89 = vector.shape_cast %swap3A_88 : vector<1x512x128xf32> to vector<512x128xf32>
    %swap3A_90 = vector.shape_cast %slice3A_84 : vector<512x128xf32> to vector<1x512x128xf32>
    tpu.vector_store %arg12[%swap3A_85, %swap3A_86, %swap3A_87], %swap3A_90 {strides = array<i32>} : memref<27x512x128xf32, #tpu.memory_space<vmem>>, vector<1x512x128xf32>,
    %slice3A_91 = vector.extract_strided_slice %add3A_68 {offsets = [0, 128], sizes = [512, 128], strides = [1, 1]} : vector<512x2048xf32> to vector<512x128xf32>
    %swap3A_92 = arith.constant 2 : index
    %swap3A_93 = arith.constant 0 : index
    %swap3A_94 = arith.constant 0 : index
    %swap3A_95 = vector.load %arg12[%swap3A_92, %swap3A_93, %swap3A_94] : memref<27x512x128xf32, #tpu.memory_space<vmem>>, vector<1x512x128xf32>
    %swap3A_96 = vector.shape_cast %swap3A_95 : vector<1x512x128xf32> to vector<512x128xf32>
    %swap3A_97 = vector.shape_cast %slice3A_91 : vector<512x128xf32> to vector<1x512x128xf32>
    tpu.vector_store %arg12[%swap3A_92, %swap3A_93, %swap3A_94], %swap3A_97 {strides = array<i32>} : memref<27x512x128xf32, #tpu.memory_space<vmem>>, vector<1x512x128xf32>,
    %slice3A_98 = vector.extract_strided_slice %add3A_68 {offsets = [0, 256], sizes = [512, 128], strides = [1, 1]} : vector<512x2048xf32> to vector<512x128xf32>
    %swap3A_99 = arith.constant 3 : index
    %swap3A_100 = arith.constant 0 : index
    %swap3A_101 = arith.constant 0 : index
    %swap3A_102 = vector.load %arg12[%swap3A_99, %swap3A_100, %swap3A_101] : memref<27x512x128xf32, #tpu.memory_space<vmem>>, vector<1x512x128xf32>
    %swap3A_103 = vector.shape_cast %swap3A_102 : vector<1x512x128xf32> to vector<512x128xf32>
    %swap3A_104 = vector.shape_cast %slice3A_98 : vector<512x128xf32> to vector<1x512x128xf32>
    tpu.vector_store %arg12[%swap3A_99, %swap3A_100, %swap3A_101], %swap3A_104 {strides = array<i32>} : memref<27x512x128xf32, #tpu.memory_space<vmem>>, vector<1x512x128xf32>,
    %slice3A_105 = vector.extract_strided_slice %add3A_68 {offsets = [0, 384], sizes = [512, 128], strides = [1, 1]} : vector<512x2048xf32> to vector<512x128xf32>
    %swap3A_106 = arith.constant 4 : index
    %swap3A_107 = arith.constant 0 : index
    %swap3A_108 = arith.constant 0 : index
    %swap3A_109 = vector.load %arg12[%swap3A_106, %swap3A_107, %swap3A_108] : memref<27x512x128xf32, #tpu.memory_space<vmem>>, vector<1x512x128xf32>
    %swap3A_110 = vector.shape_cast %swap3A_109 : vector<1x512x128xf32> to vector<512x128xf32>
    %swap3A_111 = vector.shape_cast %slice3A_105 : vector<512x128xf32> to vector<1x512x128xf32>
    tpu.vector_store %arg12[%swap3A_106, %swap3A_107, %swap3A_108], %swap3A_111 {strides = array<i32>} : memref<27x512x128xf32, #tpu.memory_space<vmem>>, vector<1x512x128xf32>,
    %slice3A_112 = vector.extract_strided_slice %add3A_68 {offsets = [0, 512], sizes = [512, 128], strides = [1, 1]} : vector<512x2048xf32> to vector<512x128xf32>
    %swap3A_113 = arith.constant 5 : index
    %swap3A_114 = arith.constant 0 : index
    %swap3A_115 = arith.constant 0 : index
    %swap3A_116 = vector.load %arg12[%swap3A_113, %swap3A_114, %swap3A_115] : memref<27x512x128xf32, #tpu.memory_space<vmem>>, vector<1x512x128xf32>
    %swap3A_117 = vector.shape_cast %swap3A_116 : vector<1x512x128xf32> to vector<512x128xf32>
    %swap3A_118 = vector.shape_cast %slice3A_112 : vector<512x128xf32> to vector<1x512x128xf32>
    tpu.vector_store %arg12[%swap3A_113, %swap3A_114, %swap3A_115], %swap3A_118 {strides = array<i32>} : memref<27x512x128xf32, #tpu.memory_space<vmem>>, vector<1x512x128xf32>,
    %slice3A_119 = vector.extract_strided_slice %add3A_68 {offsets = [0, 640], sizes = [512, 128], strides = [1, 1]} : vector<512x2048xf32> to vector<512x128xf32>
    %swap3A_120 = arith.constant 6 : index
    %swap3A_121 = arith.constant 0 : index
    %swap3A_122 = arith.constant 0 : index
    %swap3A_123 = vector.load %arg12[%swap3A_120, %swap3A_121, %swap3A_122] : memref<27x512x128xf32, #tpu.memory_space<vmem>>, vector<1x512x128xf32>
    %swap3A_124 = vector.shape_cast %swap3A_123 : vector<1x512x128xf32> to vector<512x128xf32>
    %swap3A_125 = vector.shape_cast %slice3A_119 : vector<512x128xf32> to vector<1x512x128xf32>
    tpu.vector_store %arg12[%swap3A_120, %swap3A_121, %swap3A_122], %swap3A_125 {strides = array<i32>} : memref<27x512x128xf32, #tpu.memory_space<vmem>>, vector<1x512x128xf32>,
    %slice3A_126 = vector.extract_strided_slice %add3A_68 {offsets = [0, 768], sizes = [512, 128], strides = [1, 1]} : vector<512x2048xf32> to vector<512x128xf32>
    %swap3A_127 = arith.constant 7 : index
    %swap3A_128 = arith.constant 0 : index
    %swap3A_129 = arith.constant 0 : index
    %swap3A_130 = vector.load %arg12[%swap3A_127, %swap3A_128, %swap3A_129] : memref<27x512x128xf32, #tpu.memory_space<vmem>>, vector<1x512x128xf32>
    %swap3A_131 = vector.shape_cast %swap3A_130 : vector<1x512x128xf32> to vector<512x128xf32>
    %swap3A_132 = vector.shape_cast %slice3A_126 : vector<512x128xf32> to vector<1x512x128xf32>
    tpu.vector_store %arg12[%swap3A_127, %swap3A_128, %swap3A_129], %swap3A_132 {strides = array<i32>} : memref<27x512x128xf32, #tpu.memory_space<vmem>>, vector<1x512x128xf32>,
    %slice3A_133 = vector.extract_strided_slice %add3A_68 {offsets = [0, 896], sizes = [512, 128], strides = [1, 1]} : vector<512x2048xf32> to vector<512x128xf32>
    %swap3A_134 = arith.constant 8 : index
    %swap3A_135 = arith.constant 0 : index
    %swap3A_136 = arith.constant 0 : index
    %swap3A_137 = vector.load %arg12[%swap3A_134, %swap3A_135, %swap3A_136] : memref<27x512x128xf32, #tpu.memory_space<vmem>>, vector<1x512x128xf32>
    %swap3A_138 = vector.shape_cast %swap3A_137 : vector<1x512x128xf32> to vector<512x128xf32>
    %swap3A_139 = vector.shape_cast %slice3A_133 : vector<512x128xf32> to vector<1x512x128xf32>
    tpu.vector_store %arg12[%swap3A_134, %swap3A_135, %swap3A_136], %swap3A_139 {strides = array<i32>} : memref<27x512x128xf32, #tpu.memory_space<vmem>>, vector<1x512x128xf32>,
    %slice3A_140 = vector.extract_strided_slice %add3A_68 {offsets = [0, 1024], sizes = [512, 128], strides = [1, 1]} : vector<512x2048xf32> to vector<512x128xf32>
    %swap3A_141 = arith.constant 9 : index
    %swap3A_142 = arith.constant 0 : index
    %swap3A_143 = arith.constant 0 : index
    %swap3A_144 = vector.load %arg12[%swap3A_141, %swap3A_142, %swap3A_143] : memref<27x512x128xf32, #tpu.memory_space<vmem>>, vector<1x512x128xf32>
    %swap3A_145 = vector.shape_cast %swap3A_144 : vector<1x512x128xf32> to vector<512x128xf32>
    %swap3A_146 = vector.shape_cast %slice3A_140 : vector<512x128xf32> to vector<1x512x128xf32>
    tpu.vector_store %arg12[%swap3A_141, %swap3A_142, %swap3A_143], %swap3A_146 {strides = array<i32>} : memref<27x512x128xf32, #tpu.memory_space<vmem>>, vector<1x512x128xf32>,
    %slice3A_147 = vector.extract_strided_slice %add3A_68 {offsets = [0, 1152], sizes = [512, 128], strides = [1, 1]} : vector<512x2048xf32> to vector<512x128xf32>
    %swap3A_148 = arith.constant 10 : index
    %swap3A_149 = arith.constant 0 : index
    %swap3A_150 = arith.constant 0 : index
    %swap3A_151 = vector.load %arg12[%swap3A_148, %swap3A_149, %swap3A_150] : memref<27x512x128xf32, #tpu.memory_space<vmem>>, vector<1x512x128xf32>
    %swap3A_152 = vector.shape_cast %swap3A_151 : vector<1x512x128xf32> to vector<512x128xf32>
    %swap3A_153 = vector.shape_cast %slice3A_147 : vector<512x128xf32> to vector<1x512x128xf32>
    tpu.vector_store %arg12[%swap3A_148, %swap3A_149, %swap3A_150], %swap3A_153 {strides = array<i32>} : memref<27x512x128xf32, #tpu.memory_space<vmem>>, vector<1x512x128xf32>,
    %slice3A_154 = vector.extract_strided_slice %add3A_68 {offsets = [0, 1280], sizes = [512, 128], strides = [1, 1]} : vector<512x2048xf32> to vector<512x128xf32>
    %swap3A_155 = arith.constant 11 : index
    %swap3A_156 = arith.constant 0 : index
    %swap3A_157 = arith.constant 0 : index
    %swap3A_158 = vector.load %arg12[%swap3A_155, %swap3A_156, %swap3A_157] : memref<27x512x128xf32, #tpu.memory_space<vmem>>, vector<1x512x128xf32>
    %swap3A_159 = vector.shape_cast %swap3A_158 : vector<1x512x128xf32> to vector<512x128xf32>
    %swap3A_160 = vector.shape_cast %slice3A_154 : vector<512x128xf32> to vector<1x512x128xf32>
    tpu.vector_store %arg12[%swap3A_155, %swap3A_156, %swap3A_157], %swap3A_160 {strides = array<i32>} : memref<27x512x128xf32, #tpu.memory_space<vmem>>, vector<1x512x128xf32>,
    %slice3A_161 = vector.extract_strided_slice %add3A_68 {offsets = [0, 1408], sizes = [512, 128], strides = [1, 1]} : vector<512x2048xf32> to vector<512x128xf32>
    %swap3A_162 = arith.constant 12 : index
    %swap3A_163 = arith.constant 0 : index
    %swap3A_164 = arith.constant 0 : index
    %swap3A_165 = vector.load %arg12[%swap3A_162, %swap3A_163, %swap3A_164] : memref<27x512x128xf32, #tpu.memory_space<vmem>>, vector<1x512x128xf32>
    %swap3A_166 = vector.shape_cast %swap3A_165 : vector<1x512x128xf32> to vector<512x128xf32>
    %swap3A_167 = vector.shape_cast %slice3A_161 : vector<512x128xf32> to vector<1x512x128xf32>
    tpu.vector_store %arg12[%swap3A_162, %swap3A_163, %swap3A_164], %swap3A_167 {strides = array<i32>} : memref<27x512x128xf32, #tpu.memory_space<vmem>>, vector<1x512x128xf32>,
    %slice3A_168 = vector.extract_strided_slice %add3A_68 {offsets = [0, 1536], sizes = [512, 128], strides = [1, 1]} : vector<512x2048xf32> to vector<512x128xf32>
    %swap3A_169 = arith.constant 13 : index
    %swap3A_170 = arith.constant 0 : index
    %swap3A_171 = arith.constant 0 : index
    %swap3A_172 = vector.load %arg12[%swap3A_169, %swap3A_170, %swap3A_171] : memref<27x512x128xf32, #tpu.memory_space<vmem>>, vector<1x512x128xf32>
    %swap3A_173 = vector.shape_cast %swap3A_172 : vector<1x512x128xf32> to vector<512x128xf32>
    %swap3A_174 = vector.shape_cast %slice3A_168 : vector<512x128xf32> to vector<1x512x128xf32>
    tpu.vector_store %arg12[%swap3A_169, %swap3A_170, %swap3A_171], %swap3A_174 {strides = array<i32>} : memref<27x512x128xf32, #tpu.memory_space<vmem>>, vector<1x512x128xf32>,
    %slice3A_175 = vector.extract_strided_slice %add3A_68 {offsets = [0, 1664], sizes = [512, 128], strides = [1, 1]} : vector<512x2048xf32> to vector<512x128xf32>
    %swap3A_176 = arith.constant 14 : index
    %swap3A_177 = arith.constant 0 : index
    %swap3A_178 = arith.constant 0 : index
    %swap3A_179 = vector.load %arg12[%swap3A_176, %swap3A_177, %swap3A_178] : memref<27x512x128xf32, #tpu.memory_space<vmem>>, vector<1x512x128xf32>
    %swap3A_180 = vector.shape_cast %swap3A_179 : vector<1x512x128xf32> to vector<512x128xf32>
    %swap3A_181 = vector.shape_cast %slice3A_175 : vector<512x128xf32> to vector<1x512x128xf32>
    tpu.vector_store %arg12[%swap3A_176, %swap3A_177, %swap3A_178], %swap3A_181 {strides = array<i32>} : memref<27x512x128xf32, #tpu.memory_space<vmem>>, vector<1x512x128xf32>,
    %slice3A_182 = vector.extract_strided_slice %add3A_68 {offsets = [0, 1792], sizes = [512, 128], strides = [1, 1]} : vector<512x2048xf32> to vector<512x128xf32>
    %swap3A_183 = arith.constant 15 : index
    %swap3A_184 = arith.constant 0 : index
    %swap3A_185 = arith.constant 0 : index
    %swap3A_186 = vector.load %arg12[%swap3A_183, %swap3A_184, %swap3A_185] : memref<27x512x128xf32, #tpu.memory_space<vmem>>, vector<1x512x128xf32>
    %swap3A_187 = vector.shape_cast %swap3A_186 : vector<1x512x128xf32> to vector<512x128xf32>
    %swap3A_188 = vector.shape_cast %slice3A_182 : vector<512x128xf32> to vector<1x512x128xf32>
    tpu.vector_store %arg12[%swap3A_183, %swap3A_184, %swap3A_185], %swap3A_188 {strides = array<i32>} : memref<27x512x128xf32, #tpu.memory_space<vmem>>, vector<1x512x128xf32>,
    %slice3A_189 = vector.extract_strided_slice %add3A_68 {offsets = [0, 1920], sizes = [512, 128], strides = [1, 1]} : vector<512x2048xf32> to vector<512x128xf32>
    %swap3A_190 = arith.constant 16 : index
    %swap3A_191 = arith.constant 0 : index
    %swap3A_192 = arith.constant 0 : index
    %swap3A_193 = vector.load %arg12[%swap3A_190, %swap3A_191, %swap3A_192] : memref<27x512x128xf32, #tpu.memory_space<vmem>>, vector<1x512x128xf32>
    %swap3A_194 = vector.shape_cast %swap3A_193 : vector<1x512x128xf32> to vector<512x128xf32>
    %swap3A_195 = vector.shape_cast %slice3A_189 : vector<512x128xf32> to vector<1x512x128xf32>
    tpu.vector_store %arg12[%swap3A_190, %swap3A_191, %swap3A_192], %swap3A_195 {strides = array<i32>} : memref<27x512x128xf32, #tpu.memory_space<vmem>>, vector<1x512x128xf32>,
    %slice3A_196 = vector.extract_strided_slice %add3A_73 {offsets = [0, 0], sizes = [512, 128], strides = [1, 1]} : vector<512x1280xf32> to vector<512x128xf32>
    %swap3A_197 = arith.constant 17 : index
    %swap3A_198 = arith.constant 0 : index
    %swap3A_199 = arith.constant 0 : index
    %swap3A_200 = vector.load %arg12[%swap3A_197, %swap3A_198, %swap3A_199] : memref<27x512x128xf32, #tpu.memory_space<vmem>>, vector<1x512x128xf32>
    %swap3A_201 = vector.shape_cast %swap3A_200 : vector<1x512x128xf32> to vector<512x128xf32>
    %swap3A_202 = vector.shape_cast %slice3A_196 : vector<512x128xf32> to vector<1x512x128xf32>
    tpu.vector_store %arg12[%swap3A_197, %swap3A_198, %swap3A_199], %swap3A_202 {strides = array<i32>} : memref<27x512x128xf32, #tpu.memory_space<vmem>>, vector<1x512x128xf32>,
    %slice3A_203 = vector.extract_strided_slice %add3A_73 {offsets = [0, 128], sizes = [512, 128], strides = [1, 1]} : vector<512x1280xf32> to vector<512x128xf32>
    %swap3A_204 = arith.constant 18 : index
    %swap3A_205 = arith.constant 0 : index
    %swap3A_206 = arith.constant 0 : index
    %swap3A_207 = vector.load %arg12[%swap3A_204, %swap3A_205, %swap3A_206] : memref<27x512x128xf32, #tpu.memory_space<vmem>>, vector<1x512x128xf32>
    %swap3A_208 = vector.shape_cast %swap3A_207 : vector<1x512x128xf32> to vector<512x128xf32>
    %swap3A_209 = vector.shape_cast %slice3A_203 : vector<512x128xf32> to vector<1x512x128xf32>
    tpu.vector_store %arg12[%swap3A_204, %swap3A_205, %swap3A_206], %swap3A_209 {strides = array<i32>} : memref<27x512x128xf32, #tpu.memory_space<vmem>>, vector<1x512x128xf32>,
    %slice3A_210 = vector.extract_strided_slice %add3A_73 {offsets = [0, 256], sizes = [512, 128], strides = [1, 1]} : vector<512x1280xf32> to vector<512x128xf32>
    %swap3A_211 = arith.constant 19 : index
    %swap3A_212 = arith.constant 0 : index
    %swap3A_213 = arith.constant 0 : index
    %swap3A_214 = vector.load %arg12[%swap3A_211, %swap3A_212, %swap3A_213] : memref<27x512x128xf32, #tpu.memory_space<vmem>>, vector<1x512x128xf32>
    %swap3A_215 = vector.shape_cast %swap3A_214 : vector<1x512x128xf32> to vector<512x128xf32>
    %swap3A_216 = vector.shape_cast %slice3A_210 : vector<512x128xf32> to vector<1x512x128xf32>
    tpu.vector_store %arg12[%swap3A_211, %swap3A_212, %swap3A_213], %swap3A_216 {strides = array<i32>} : memref<27x512x128xf32, #tpu.memory_space<vmem>>, vector<1x512x128xf32>,
    %slice3A_217 = vector.extract_strided_slice %add3A_73 {offsets = [0, 384], sizes = [512, 128], strides = [1, 1]} : vector<512x1280xf32> to vector<512x128xf32>
    %swap3A_218 = arith.constant 20 : index
    %swap3A_219 = arith.constant 0 : index
    %swap3A_220 = arith.constant 0 : index
    %swap3A_221 = vector.load %arg12[%swap3A_218, %swap3A_219, %swap3A_220] : memref<27x512x128xf32, #tpu.memory_space<vmem>>, vector<1x512x128xf32>
    %swap3A_222 = vector.shape_cast %swap3A_221 : vector<1x512x128xf32> to vector<512x128xf32>
    %swap3A_223 = vector.shape_cast %slice3A_217 : vector<512x128xf32> to vector<1x512x128xf32>
    tpu.vector_store %arg12[%swap3A_218, %swap3A_219, %swap3A_220], %swap3A_223 {strides = array<i32>} : memref<27x512x128xf32, #tpu.memory_space<vmem>>, vector<1x512x128xf32>,
    %slice3A_224 = vector.extract_strided_slice %add3A_73 {offsets = [0, 512], sizes = [512, 128], strides = [1, 1]} : vector<512x1280xf32> to vector<512x128xf32>
    %swap3A_225 = arith.constant 21 : index
    %swap3A_226 = arith.constant 0 : index
    %swap3A_227 = arith.constant 0 : index
    %swap3A_228 = vector.load %arg12[%swap3A_225, %swap3A_226, %swap3A_227] : memref<27x512x128xf32, #tpu.memory_space<vmem>>, vector<1x512x128xf32>
    %swap3A_229 = vector.shape_cast %swap3A_228 : vector<1x512x128xf32> to vector<512x128xf32>
    %swap3A_230 = vector.shape_cast %slice3A_224 : vector<512x128xf32> to vector<1x512x128xf32>
    tpu.vector_store %arg12[%swap3A_225, %swap3A_226, %swap3A_227], %swap3A_230 {strides = array<i32>} : memref<27x512x128xf32, #tpu.memory_space<vmem>>, vector<1x512x128xf32>,
    %slice3A_231 = vector.extract_strided_slice %add3A_73 {offsets = [0, 640], sizes = [512, 128], strides = [1, 1]} : vector<512x1280xf32> to vector<512x128xf32>
    %swap3A_232 = arith.constant 22 : index
    %swap3A_233 = arith.constant 0 : index
    %swap3A_234 = arith.constant 0 : index
    %swap3A_235 = vector.load %arg12[%swap3A_232, %swap3A_233, %swap3A_234] : memref<27x512x128xf32, #tpu.memory_space<vmem>>, vector<1x512x128xf32>
    %swap3A_236 = vector.shape_cast %swap3A_235 : vector<1x512x128xf32> to vector<512x128xf32>
    %swap3A_237 = vector.shape_cast %slice3A_231 : vector<512x128xf32> to vector<1x512x128xf32>
    tpu.vector_store %arg12[%swap3A_232, %swap3A_233, %swap3A_234], %swap3A_237 {strides = array<i32>} : memref<27x512x128xf32, #tpu.memory_space<vmem>>, vector<1x512x128xf32>,
    %slice3A_238 = vector.extract_strided_slice %add3A_73 {offsets = [0, 768], sizes = [512, 128], strides = [1, 1]} : vector<512x1280xf32> to vector<512x128xf32>
    %swap3A_239 = arith.constant 23 : index
    %swap3A_240 = arith.constant 0 : index
    %swap3A_241 = arith.constant 0 : index
    %swap3A_242 = vector.load %arg12[%swap3A_239, %swap3A_240, %swap3A_241] : memref<27x512x128xf32, #tpu.memory_space<vmem>>, vector<1x512x128xf32>
    %swap3A_243 = vector.shape_cast %swap3A_242 : vector<1x512x128xf32> to vector<512x128xf32>
    %swap3A_244 = vector.shape_cast %slice3A_238 : vector<512x128xf32> to vector<1x512x128xf32>
    tpu.vector_store %arg12[%swap3A_239, %swap3A_240, %swap3A_241], %swap3A_244 {strides = array<i32>} : memref<27x512x128xf32, #tpu.memory_space<vmem>>, vector<1x512x128xf32>,
    %slice3A_245 = vector.extract_strided_slice %add3A_73 {offsets = [0, 896], sizes = [512, 128], strides = [1, 1]} : vector<512x1280xf32> to vector<512x128xf32>
    %swap3A_246 = arith.constant 24 : index
    %swap3A_247 = arith.constant 0 : index
    %swap3A_248 = arith.constant 0 : index
    %swap3A_249 = vector.load %arg12[%swap3A_246, %swap3A_247, %swap3A_248] : memref<27x512x128xf32, #tpu.memory_space<vmem>>, vector<1x512x128xf32>
    %swap3A_250 = vector.shape_cast %swap3A_249 : vector<1x512x128xf32> to vector<512x128xf32>
    %swap3A_251 = vector.shape_cast %slice3A_245 : vector<512x128xf32> to vector<1x512x128xf32>
    tpu.vector_store %arg12[%swap3A_246, %swap3A_247, %swap3A_248], %swap3A_251 {strides = array<i32>} : memref<27x512x128xf32, #tpu.memory_space<vmem>>, vector<1x512x128xf32>,
    %slice3A_252 = vector.extract_strided_slice %add3A_73 {offsets = [0, 1024], sizes = [512, 128], strides = [1, 1]} : vector<512x1280xf32> to vector<512x128xf32>
    %swap3A_253 = arith.constant 25 : index
    %swap3A_254 = arith.constant 0 : index
    %swap3A_255 = arith.constant 0 : index
    %swap3A_256 = vector.load %arg12[%swap3A_253, %swap3A_254, %swap3A_255] : memref<27x512x128xf32, #tpu.memory_space<vmem>>, vector<1x512x128xf32>
    %swap3A_257 = vector.shape_cast %swap3A_256 : vector<1x512x128xf32> to vector<512x128xf32>
    %swap3A_258 = vector.shape_cast %slice3A_252 : vector<512x128xf32> to vector<1x512x128xf32>
    tpu.vector_store %arg12[%swap3A_253, %swap3A_254, %swap3A_255], %swap3A_258 {strides = array<i32>} : memref<27x512x128xf32, #tpu.memory_space<vmem>>, vector<1x512x128xf32>,
    %slice3A_259 = vector.extract_strided_slice %add3A_73 {offsets = [0, 1152], sizes = [512, 128], strides = [1, 1]} : vector<512x1280xf32> to vector<512x128xf32>
    %swap3A_260 = arith.constant 26 : index
    %swap3A_261 = arith.constant 0 : index
    %swap3A_262 = arith.constant 0 : index
    %swap3A_263 = vector.load %arg12[%swap3A_260, %swap3A_261, %swap3A_262] : memref<27x512x128xf32, #tpu.memory_space<vmem>>, vector<1x512x128xf32>
    %swap3A_264 = vector.shape_cast %swap3A_263 : vector<1x512x128xf32> to vector<512x128xf32>
    %swap3A_265 = vector.shape_cast %slice3A_259 : vector<512x128xf32> to vector<1x512x128xf32>
    tpu.vector_store %arg12[%swap3A_260, %swap3A_261, %swap3A_262], %swap3A_265 {strides = array<i32>} : memref<27x512x128xf32, #tpu.memory_space<vmem>>, vector<1x512x128xf32>,
    return
  }
  func.func @transform_0(%arg0: i32) -> (i32, i32) {
    %c0_i32 = arith.constant 0 : i32
    %c0_i32_0 = arith.constant 0 : i32
    return %arg0, %c0_i32 : i32, i32
  }
  func.func @transform_1(%arg0: i32) -> (i32, i32) {
    %c0_i32 = arith.constant 0 : i32
    %c0_i32_0 = arith.constant 0 : i32
    return %c0_i32, %arg0 : i32, i32
  }
  func.func @transform_2(%arg0: i32) -> (i32, i32) {
    %c0_i32 = arith.constant 0 : i32
    %c0_i32_0 = arith.constant 0 : i32
    %c0_i32_1 = arith.constant 0 : i32
    return %c0_i32, %c0_i32_0 : i32, i32
  }
  func.func @transform_3(%arg0: i32) -> (i32, i32) {
    %c0_i32 = arith.constant 0 : i32
    %c0_i32_0 = arith.constant 0 : i32
    %c0_i32_1 = arith.constant 0 : i32
    return %c0_i32, %c0_i32_0 : i32, i32
  }
  func.func @transform_4(%arg0: i32) -> (i32, i32) {
    %c0_i32 = arith.constant 0 : i32
    %c0_i32_0 = arith.constant 0 : i32
    %c0_i32_1 = arith.constant 0 : i32
    return %c0_i32, %c0_i32_0 : i32, i32
  }
  func.func @transform_5(%arg0: i32) -> (i32, i32) {
    %c0_i32 = arith.constant 0 : i32
    %c0_i32_0 = arith.constant 0 : i32
    %c0_i32_1 = arith.constant 0 : i32
    return %c0_i32, %c0_i32_0 : i32, i32
  }
  func.func @transform_6(%arg0: i32) -> (i32, i32) {
    %c0_i32 = arith.constant 0 : i32
    %c0_i32_0 = arith.constant 0 : i32
    %c0_i32_1 = arith.constant 0 : i32
    return %c0_i32, %c0_i32_0 : i32, i32
  }
  func.func @transform_7(%arg0: i32) -> (i32, i32) {
    %c0_i32 = arith.constant 0 : i32
    %c0_i32_0 = arith.constant 0 : i32
    %c0_i32_1 = arith.constant 0 : i32
    return %c0_i32, %c0_i32_0 : i32, i32
  }
  func.func @transform_8(%arg0: i32) -> (i32, i32) {
    %c0_i32 = arith.constant 0 : i32
    %c0_i32_0 = arith.constant 0 : i32
    %c0_i32_1 = arith.constant 0 : i32
    return %c0_i32, %c0_i32_0 : i32, i32
  }
  func.func @transform_9(%arg0: i32) -> (i32, i32) {
    %c0_i32 = arith.constant 0 : i32
    %c0_i32_0 = arith.constant 0 : i32
    %c0_i32_1 = arith.constant 0 : i32
    return %c0_i32, %c0_i32_0 : i32, i32
  }
  func.func @transform_10(%arg0: i32) -> (i32, i32) {
    %c0_i32 = arith.constant 0 : i32
    %c0_i32_0 = arith.constant 0 : i32
    %c0_i32_1 = arith.constant 0 : i32
    return %c0_i32, %c0_i32_0 : i32, i32
  }
  func.func @transform_11(%arg0: i32) -> (i32, i32, i32) {
    %c0_i32 = arith.constant 0 : i32
    %c0_i32_0 = arith.constant 0 : i32
    %c0_i32_1 = arith.constant 0 : i32
    return %c0_i32, %arg0, %c0_i32_0 : i32, i32, i32
  }
}

</mosaic_0001>

<sc_bundles>
// kernel: kernel.4.cloned.1.call-start
scs
__scs_entry_jumppad:
0x0: {  	(pc) =	sbr.rel $0x88, $3  }
0x1: {  	(tag) =	ssettag $0x0;
	lr =	simm.s32 $0x1  }
0x2: {  	[smem:$0x3F95] =	sst lr;
	_ =	strace $0xD0000000  }
0x3: {  	_ = 	snop  }
0x4: {  	_ = 	snop  }
0x5: {  	_ = 	snop  }
0x6: {  	_ = 	snop  }
0x7: {  	_ = 	snop  }
__scs_overlays_trampoline_lowered:
0x8: {  	[smem:$0x3FA4] =	sst s0  }
0x9: {  	[smem:$0x3FA5] =	sst s1  }
0xa: {  	[smem:$0x3FA6] =	sst s2  }
0xb: {  	[smem:$0x3FA7] =	sst s3  }
0xc: {  	[smem:$0x3FA8] =	sst s4  }
0xd: {  	[smem:$0x3FA9] =	sst s5  }
0xe: {  	[smem:$0x3FAA] =	sst s6  }
0xf: {  	[smem:$0x3FAB] =	sst s7  }
0x10: {  	[smem:$0x3FAC] =	sst s8  }
0x11: {  	[smem:$0x3FAD] =	sst s9;
	s0 =	simm.s32 @!p0 $0x0  }
0x12: {  	s1 =	sld [smem:$0x3F93];
	s0 =	simm.s32 @p0 $0x1  }
0x13: {  	[smem:$0x3FAE] =	sst s0;
	s0 =	simm.s32 @!p1 $0x0  }
0x14: {  	s2 =	sld [smem:$0x3F92];
	s0 =	simm.s32 @p1 $0x1  }
0x15: {  	[smem:$0x3FAF] =	sst s0;
	s0 =	simm.s32 @!p2 $0x0  }
0x16: {  	s3 =	sld [smem:$0x3FDB];
	s0 =	simm.s32 @p2 $0x1  }
0x17: {  	s4 =	simm.s32 $0x1BF5;
	[smem:$0x3FB1] =	sst s0  }
0x18: {  	s0 =	sld [smem:$0x3F94];
	_ =	swait.ge [sflag:s4], $0x0  }
0x19: {  	s7 =	sld [smem:$0x3F95]  }
0x1a: {  	s8 =	sadd.s32 $0xFFFFE003, lr  }
0x1b: {  	s9 =	sadd.s32 $0xFFFFFEF7, lr;
	s5 =	simm.s32 $0xFFFFFFFF;
	p2 =	slt.u32 s8, $0xFFFFF086  }
0x1c: {  	p1 =	slt.u32 s9, $0xF7A;
	s5 =	simm.s32 @!p2 $0x0  }
0x1d: {  	s5 =	simm.s32 @p1 $0x1;
	p0 =	seq.s32 s7, s2  }
0x1e: {  	s7 =	smul.u32 @!p0 $0xF7A, s2;
	p2 =	seq.s32 @!p0 s5, $0x0  }
0x1f: {  	s9 =	smul.u32 $0xF7A, s1;
	s8 =	simm.s32 @!p0 $0x1BF5;
	p2 =	por !p2, p0  }
0x20: {  	[sflag:s8] =	ssyncset.s32 @!p0 $0xFFFFF086;
	s6 =	sadd.s32 @!p0 s3, s7;
	s7 =	simm.s32 @!p0 $0x108  }
0x21: {  	s3 =	sadd.s32 s3, s9;
	s6 =	sadd.s32 @!p0 $0x88, s6;
	s7 =	simm.s32 @p2 $0x1082  }
0x22: {  	[simem:s7], [sflag:s8] =	dma.local @!p0 [hbm:s6], $0xF7A  }
0x23: {  	s9 =	sor.u32 $0xD0000000, s2;
	s6 =	simm.s32 $0x108;
	_ =	swait.ge @!p0 [sflag:s8], $0x0  }
0x24: {  	s3 =	sadd.s32 $0x88, s3;
	s6 =	simm.s32 @!p1 $0x1082;
	[sflag:s4] =	ssyncset.s32 $0xFFFFF086  }
0x25: {  	[simem:s6], [sflag:s4] =	dma.local [hbm:s3], $0xF7A  }
0x26: {  	[smem:$0x3F95] =	sst s1;
	(tag) =	ssettag s2;
	_ =	strace s9  }
0x27: {  	s1 =	sld [smem:$0x3FA5]  }
0x28: {  	s2 =	sld [smem:$0x3FA6]  }
0x29: {  	s4 =	sld [smem:$0x3FA8]  }
0x2a: {  	p0 =	seq.s32 s5, $0x0;
	s5 =	sld [smem:$0x3FA9]  }
0x2b: {  	s6 =	sld [smem:$0x3FAA]  }
0x2c: {  	s7 =	sld [smem:$0x3FAB]  }
0x2d: {  	s3 =	simm.s32 $0x108;
	s8 =	sld [smem:$0x3FAC]  }
0x2e: {  	s3 =	simm.s32 @!p0 $0x1082;
	s9 =	sld [smem:$0x3FAD]  }
0x2f: {  	lr =	sadd.s32 s0, s3;
	s0 =	sld [smem:$0x3FA4]  }
0x30: {  	s3 =	sld [smem:$0x3FA7]  }
0x31: {  	[smem:$0x3FB0] =	sst s10  }
0x32: {  	s10 =	sld [smem:$0x3FAE];
	_ =	sdelay $0x3  }
0x33: {  	p0 =	seq.s32 s10, $0x1;
	s10 =	sld [smem:$0x3FB0];
	_ =	sdelay $0x3  }
0x34: {  	[smem:$0x3FB0] =	sst s10  }
0x35: {  	s10 =	sld [smem:$0x3FAF];
	_ =	sdelay $0x3  }
0x36: {  	p1 =	seq.s32 s10, $0x1;
	s10 =	sld [smem:$0x3FB0];
	_ =	sdelay $0x3  }
0x37: {  	[smem:$0x3FB0] =	sst s10  }
0x38: {  	s10 =	sld [smem:$0x3FB1]  }
0x39: {  	_ = 	snop;
	(pc) =	sbr.ind lr, $3  }
0x3a: {  	_ = 	snop  }
0x3b: {  	_ = 	snop  }
0x3c: {  	p2 =	seq.s32 s10, $0x1;
	s10 =	sld [smem:$0x3FB0]  }
0x3d: {  	_ =	shalt  }
0x3e: {  	_ =	shalt  }
0x3f: {  	_ =	shalt  }
0x40: {  	_ =	shalt  }
0x41: {  	_ =	shalt  }
0x42: {  	_ =	shalt  }
0x43: {  	_ =	shalt  }
0x44: {  	_ =	shalt  }
0x45: {  	_ =	shalt  }
0x46: {  	_ =	shalt  }
0x47: {  	_ =	shalt  }
0x48: {  	_ =	shalt  }
0x49: {  	_ =	shalt  }
0x4a: {  	_ =	shalt  }
0x4b: {  	_ =	shalt  }
0x4c: {  	_ =	shalt  }
0x4d: {  	_ =	shalt  }
0x4e: {  	_ =	shalt  }
0x4f: {  	_ =	shalt  }
0x50: {  	_ =	shalt  }
0x51: {  	_ =	shalt  }
0x52: {  	_ =	shalt  }
0x53: {  	_ =	shalt  }
0x54: {  	_ =	shalt  }
0x55: {  	_ =	shalt  }
0x56: {  	_ =	shalt  }
0x57: {  	_ =	shalt  }
0x58: {  	_ =	shalt  }
0x59: {  	_ =	shalt  }
0x5a: {  	_ =	shalt  }
0x5b: {  	_ =	shalt  }
0x5c: {  	_ =	shalt  }
0x5d: {  	_ =	shalt  }
0x5e: {  	_ =	shalt  }
0x5f: {  	_ =	shalt  }
0x60: {  	_ =	shalt  }
0x61: {  	_ =	shalt  }
0x62: {  	_ =	shalt  }
0x63: {  	_ =	shalt  }
0x64: {  	_ =	shalt  }
0x65: {  	_ =	shalt  }
0x66: {  	_ =	shalt  }
0x67: {  	_ =	shalt  }
0x68: {  	_ =	shalt  }
0x69: {  	_ =	shalt  }
0x6a: {  	_ =	shalt  }
0x6b: {  	_ =	shalt  }
0x6c: {  	_ =	shalt  }
0x6d: {  	_ =	shalt  }
0x6e: {  	_ =	shalt  }
0x6f: {  	_ =	shalt  }
0x70: {  	_ =	shalt  }
0x71: {  	_ =	shalt  }
0x72: {  	_ =	shalt  }
0x73: {  	_ =	shalt  }
0x74: {  	_ =	shalt  }
0x75: {  	_ =	shalt  }
0x76: {  	_ =	shalt  }
0x77: {  	_ =	shalt  }
0x78: {  	_ =	shalt  }
0x79: {  	_ =	shalt  }
0x7a: {  	_ =	shalt  }
0x7b: {  	_ =	shalt  }
0x7c: {  	_ =	shalt  }
0x7d: {  	_ =	shalt  }
0x7e: {  	_ =	shalt  }
0x7f: {  	_ =	shalt  }
0x80: {  	_ =	shalt  }
0x81: {  	_ =	shalt  }
0x82: {  	_ =	shalt  }
0x83: {  	_ =	shalt  }
0x84: {  	_ =	shalt  }
0x85: {  	_ =	shalt  }
0x86: {  	_ =	shalt  }
0x87: {  	_ =	shalt  }
.Lfunc_end0:
.L_simem_size_0:
called_computation_lowered:
.L_overlay_start_0:
0x88: {  	s2 =	sld [smem:$0x3FD9]  }
0x89: {  	s3 =	sld [smem:$0x3FFE];
	_ =	sdelay $0x1  }
0x8a: {  	s1 =	srdreg.scid  }
0x8b: {  	s0 =	sand.u32 $0x1, s1  }
0x8c: {  	s17 =	sshll.u32 s0, $0xA;
	s2 =	sadd.s32 s3, s2  }
0x8d: {  	s2 =	sadd.s32 s2, s17  }
0x8e: {  	[smem:$0x3FBC] =	sst s2  }
0x8f: {  	_ = 	snop  }
0x90: {  	s2 =	sld [smem:$0x3FD0];
	(tm) =	ssettm $0x1  }
0x91: {  	s18 =	sld [smem:$0x3FFB];
	_ =	sdelay $0x3  }
0x92: {  	_ =	strace s18  }
0x93: {  	s3 =	sld [smem:$0x3FFC];
	_ =	sdelay $0x3  }
0x94: {  	_ =	strace s3  }
0x95: {  	s3 =	sld [smem:$0x3FFD];
	_ =	sdelay $0x3  }
0x96: {  	_ =	strace s3  }
0x97: {  	_ =	strace $0x8FFFFFFF  }
0x98: {  	s19 =	sld [smem:$0x3FDB];
	_ =	sdelay $0x1  }
0x99: {  	s4 =	simm.s32 $_scs_section_size  }
0x9a: {  	s5 =	simm.s32 $_size__tile_overlayer_lowered;
	s6 =	simm.s32 $_tile_overlayer_lowered  }
0x9b: {  	s22 =	simm.s32 $0x1BFF;
	s21 =	sshll.u32 s6, $0x1;
	s3 =	sadd.s32 s4, s19  }
0x9c: {  	s7 =	simm.s32 $0x0;
	s20 =	sshll.u32 s5, $0x1;
	s5 =	sadd.s32 s21, s3  }
0x9d: {  	[timem:s7], [sflag:s22] =	dma.local [hbm:s5], s20  }
0x9e: {  	_ =	swait.ge [sflag:s22], s20  }
0x9f: {  	s4 =	ssub.s32 $0x0, s20;
	[sflag:s22] =	ssyncset.done $0x0  }
0xa0: {  	[sflag:s22] =	ssyncadd.s32 s4;
	_ =	sdelay $0x1  }
0xa1: {  	s23 =	simm.s32 $0x1B8B  }
0xa2: {  	_ =	swait.ge [sflag:s23], $0x1  }
0xa3: {  	[sflag:s23] =	ssyncset.done $0x0  }
0xa4: {  	s25 =	simm.s32 $0x1B8E;
	s24 =	sld [smem:$0x3FFE];
	[sflag:s23] =	ssyncadd.s32 $0xFFFFFFFF  }
0xa5: {  	s26 =	simm.s32 $execute0_lowered;
	[smem:$0x3FD2] =	sst s25  }
0xa6: {  	s5 =	sshll.u32 s26, $0x1;
	_ =	strace $0x80000046;
	[dreg:$0x1] =	wrdreg $0xFFFFFFFF  }
0xa7: {  	s28 =	simm.s32 $_size_execute0_lowered;
	s3 =	sadd.s32 s3, s5;
	[dreg:$0x0] =	wrdreg $0x0  }
0xa8: {  	s5 =	sshll.u32 s28, $0x1;
	[dreg:$0x2] =	wrdreg s3  }
0xa9: {  	[dreg:$0x3] =	wrdreg s5  }
0xaa: {  	[dreg:$0x4] =	wrdreg $0xC0  }
0xab: {  	_ =	task [dreg:s7], $0x5FFFF  }
0xac: {  	[dreg:$0x1] =	wrdreg $0xFFFFFFFF  }
0xad: {  	[dreg:$0x0] =	wrdreg $0x60  }
0xae: {  	[dreg:$0x2] =	wrdreg s2  }
0xaf: {  	[dreg:$0x3] =	wrdreg s24  }
0xb0: {  	[dreg:$0x4] =	wrdreg $0x9  }
0xb1: {  	_ =	task.clear_ibuf [dreg:s7], $0x5FFFF;
	_ =	strace $0x90000046  }
0xb2: {  	s29 =	simm.s32 $0x9;
	_ =	strace $0x80000048  }
0xb3: {  	_ =	swait.ge [sflag:s29], $0x1  }
0xb4: {  	[sflag:s29] =	ssyncadd.s32 $0xFFFFFFFF  }
0xb5: {  	_ =	strace $0x90000048  }
0xb6: {  	_ =	sfence  }
0xb7: {  	s30 =	sld [smem:$0x0];
	_ =	sdelay $0x2  }
0xb8: {  	s31 =	sshll.u32 s1, $0xD;
	s1 =	sshrl.u32 s1, $0x2  }
0xb9: {  	s3 =	sand.u32 $0x4000, s31;
	s1 =	sadd.s32 s1, s30  }
0xba: {  	s0 =	sor.u32 s3, s0;
	s1 =	sshll.u32 s1, $0x11  }
0xbb: {  	s0 =	sor.u32 s1, s0  }
0xbc: {  	s0 =	sadd.s32 $0x8F2B, s0  }
0xbd: {  	[sflag:s0] =	ssyncadd.remote.s32 $0x1  }
0xbe: {  	_ =	sfence.sel $0xFFFF  }
0xbf: {  	[dreg:$0x0] =	wrdreg $0xFFFFFFFF;
	(pc) =	sbr.abs _section_cstart, $3  }
0xc0: {  	[dreg:$0x1] =	wrdreg $0xFFFFFFFF  }
0xc1: {  	_ =	task.clear_ibuf [dreg:s7], $0x2FFFF;
	_ =	strace $0x9FFFFFFF  }
0xc2: {  	(tm) =	ssettm $0x7FFFFFFF  }
0xc3: {  	_ =	shalt  }
tec
execute0_lowered:
.L_overlay_start_1:
0x0: {  	(tag) =	ssettag $0x1  }
0x1: {  	s1 =	rddreg [dreg:$0x0]  }
0x2: {  	s13 =	rddreg [dreg:$0x1]  }
0x3: {  	s0 =	rddreg [dreg:$0x2];
	s2 =	simm.s32 $0x0  }
0x4: {  	s3 =	srdreg.scid;
	s15 =	simm.s32 $0x2;
	s16 =	simm.s32 $0x186A0  }
0x5: {  	s17 =	simm.s32 $0x1C6A0;
	s18 =	simm.s32 $0x1CEA0;
	s19 =	simm.s32 $0x1  }
0x6: {  	s20 =	simm.s32 $0x0;
	[smem:$0x7FF] =	sst s2;
	s6 =	sand.u32 $0x1, s3  }
0x7: {  	s3 =	stileid.u32;
	s4 =	sadd.s32 $0x1E00, s13;
	s5 =	sadd.s32 $0xEE00, s13  }
0x8: {  	s10 =	sadd.s32 $0xF200, s13;
	s11 =	sadd.s32 $0xF300, s13;
	s12 =	sadd.s32 $0xF400, s13  }
0x9: {  	_ =	strace $0x80000047;
	s7 =	ssub.s32 $0x2, s6;
	s9 =	sshll.u32 s3, $0x1  }
0xa: {  	s8 =	sshrl.u32 s7, $0x1;
	s6 =	sor.u32 s6, s9;
	s9 =	sadd.s32 $0xF100, s13  }
0xb: {  	s14 =	ssub.s32 s7, s8;
	s6 =	smul.u32 $0xD, s6;
	s7 =	sadd.s32 $0xEF00, s13  }
0xc: {  	s8 =	sadd.s32 $0xF000, s13;
	s13 =	sadd.s32 $0xF500, s13;
	s14 =	smax.u32 s14, $0x1  }
.LBB2_1:
0xd: {  	s21 =	simm.s32 $0x0  }
.LBB2_2:
0xe: {  	s22 =	sadd.s32 s6, s21  }
0xf: {  	s23 =	smul.u32 $0x30D4, s22;
	_ =	sdelay $0x1  }
0x10: {  	s24 =	simm.s32 $0x0;
	s23 =	sadd.s32 s1, s23  }
0x11: {  	[tilespmem:s24], [sflag:$0x2] =	stream.linear.gather [hbm4b:s23+s24], $0x186A0, $0x38;
	[tilespmem:$0x1D6A0] =	vst v63  }
0x12: {  	s31 =	sshll.u32 s22, $0x7;
	_ =	swait.ge [sflag:s15], $0x186A0  }
0x13: {  	s23 =	sand.u32 $0x1FFFF800, s31;
	[sflag:s15] =	ssyncset.done $0x0  }
0x14: {  	s23 =	sadd.s32 s4, s23;
	[sflag:s15] =	ssyncadd.s32 $0xFFFE7960  }
0x15: {  	[tilespmem:s16], [sflag:$0x2] =	stream.linear.gather [hbm4b:s23+s24], $0x4000, $0x38;
	[tilespmem:$0x1D6A0] =	vst v63  }
0x16: {  	_ =	swait.ge [sflag:s15], $0x4000  }
0x17: {  	[sflag:s15] =	ssyncset.done $0x0  }
0x18: {  	s23 =	simm.s32 $0x0;
	[sflag:s15] =	ssyncadd.s32 $0xFFFFC000  }
0x19: {  	v0 =	vld [tilespmem:s23+$0x186A0];
	_ =	sdelay $0x5  }
0x1a: {  	v1 =	vld [tilespmem:s23+$0x186B0];
	_ =	sdelay $0x1  }
0x1b: {  	v0 =	vld.idx.msk [tilespmem:v0+s2+$0x0], $0xffff;
	_ =	sdelay $0x4  }
0x1c: {  	[tilespmem:s23+$0x1C6A0] =	vst v0;
	v0 =	vld [tilespmem:s23+$0x186C0]  }
0x1d: {  	v1 =	vld.idx.msk [tilespmem:v1+s2+$0x0], $0xffff;
	_ =	sdelay $0x4  }
0x1e: {  	[tilespmem:s23+$0x1C6B0] =	vst v1;
	v1 =	vld [tilespmem:s23+$0x186D0];
	_ =	sdelay $0x1  }
0x1f: {  	v0 =	vld.idx.msk [tilespmem:v0+s2+$0x0], $0xffff;
	_ =	sdelay $0x4  }
0x20: {  	[tilespmem:s23+$0x1C6C0] =	vst v0;
	v0 =	vld [tilespmem:s23+$0x186E0]  }
0x21: {  	v1 =	vld.idx.msk [tilespmem:v1+s2+$0x0], $0xffff;
	_ =	sdelay $0x4  }
0x22: {  	[tilespmem:s23+$0x1C6D0] =	vst v1;
	v1 =	vld [tilespmem:s23+$0x186F0];
	_ =	sdelay $0x1  }
0x23: {  	v0 =	vld.idx.msk [tilespmem:v0+s2+$0x0], $0xffff;
	_ =	sdelay $0x4  }
0x24: {  	v2 =	vld [tilespmem:s23+$0x18700];
	[tilespmem:s23+$0x1C6E0] =	vst v0  }
0x25: {  	v0 =	vld.idx.msk [tilespmem:v1+s2+$0x0], $0xffff;
	_ =	sdelay $0x4  }
0x26: {  	[tilespmem:s23+$0x1C6F0] =	vst v0;
	v0 =	vld [tilespmem:s23+$0x18710];
	_ =	sdelay $0x1  }
0x27: {  	v1 =	vld.idx.msk [tilespmem:v2+s2+$0x0], $0xffff;
	_ =	sdelay $0x3  }
0x28: {  	s25 =	simm.s32 $0x80;
	s24 =	simm.s32 $0x400  }
.LBB2_3:
0x29: {  	p0 =	sne.s32 s24, $0x1E00;
	v2 =	vld [tilespmem:s25+$0x186A0];
	[tilespmem:s23+$0x1C700] =	vst v1  }
0x2a: {  	v0 =	vld.idx.msk [tilespmem:v0+s2+$0x0], $0xffff;
	_ =	sdelay $0x5  }
0x2b: {  	v1 =	vld [tilespmem:s25+$0x186B0];
	[tilespmem:s23+$0x1C710] =	vst v0;
	s23 =	smov.u32 s25  }
0x2c: {  	v0 =	vld.idx.msk [tilespmem:v2+s2+$0x0], $0xffff;
	_ =	sdelay $0x5  }
0x2d: {  	[tilespmem:s23+$0x1C6A0] =	vst v0;
	v0 =	vld [tilespmem:s23+$0x186C0]  }
0x2e: {  	v1 =	vld.idx.msk [tilespmem:v1+s2+$0x0], $0xffff;
	_ =	sdelay $0x5  }
0x2f: {  	[tilespmem:s23+$0x1C6B0] =	vst v1;
	v1 =	vld [tilespmem:s23+$0x186D0]  }
0x30: {  	v0 =	vld.idx.msk [tilespmem:v0+s2+$0x0], $0xffff;
	_ =	sdelay $0x5  }
0x31: {  	[tilespmem:s23+$0x1C6C0] =	vst v0;
	v0 =	vld [tilespmem:s23+$0x186E0]  }
0x32: {  	v1 =	vld.idx.msk [tilespmem:v1+s2+$0x0], $0xffff;
	_ =	sdelay $0x5  }
0x33: {  	[tilespmem:s23+$0x1C6D0] =	vst v1;
	v1 =	vld [tilespmem:s23+$0x186F0]  }
0x34: {  	v0 =	vld.idx.msk [tilespmem:v0+s2+$0x0], $0xffff;
	_ =	sdelay $0x5  }
0x35: {  	[tilespmem:s23+$0x1C6E0] =	vst v0;
	v2 =	vld [tilespmem:s23+$0x18700]  }
0x36: {  	v0 =	vld.idx.msk [tilespmem:v1+s2+$0x0], $0xffff;
	_ =	sdelay $0x5  }
0x37: {  	[tilespmem:s23+$0x1C6F0] =	vst v0;
	v0 =	vld [tilespmem:s23+$0x18710]  }
0x38: {  	v1 =	vld.idx.msk [tilespmem:v2+s2+$0x0], $0xffff  }
.Ltmp0:
0x39: {  	(pc) =	sbr.rel @p0 .LBB2_3-.Ltmp0, $2  }
0x3a: {  	_ =	sdelay $0x2  }
0x3b: {  	s25 =	sshra.s32 s24, $0x2;
	s24 =	sadd.s32 $0x200, s24  }
0x3c: {  	_ =	sdelay $0x1  }
0x3d: {  	v2 =	vld [tilespmem:s25+$0x186A0]  }
0x3e: {  	[tilespmem:s23+$0x1C700] =	vst v1  }
0x3f: {  	v0 =	vld.idx.msk [tilespmem:v0+s2+$0x0], $0xffff;
	_ =	sdelay $0x3  }
0x40: {  	v1 =	vld [tilespmem:s25+$0x186B0]  }
0x41: {  	[tilespmem:s23+$0x1C710] =	vst v0  }
0x42: {  	v0 =	vld.idx.msk [tilespmem:v2+s2+$0x0], $0xffff;
	_ =	sdelay $0x4  }
0x43: {  	[tilespmem:s25+$0x1C6A0] =	vst v0;
	v0 =	vld [tilespmem:s25+$0x186C0]  }
0x44: {  	v1 =	vld.idx.msk [tilespmem:v1+s2+$0x0], $0xffff;
	_ =	sdelay $0x4  }
0x45: {  	[tilespmem:s25+$0x1C6B0] =	vst v1;
	v1 =	vld [tilespmem:s25+$0x186D0];
	_ =	sdelay $0x1  }
0x46: {  	v0 =	vld.idx.msk [tilespmem:v0+s2+$0x0], $0xffff;
	_ =	sdelay $0x4  }
0x47: {  	[tilespmem:s25+$0x1C6C0] =	vst v0;
	v0 =	vld [tilespmem:s25+$0x186E0]  }
0x48: {  	v1 =	vld.idx.msk [tilespmem:v1+s2+$0x0], $0xffff;
	_ =	sdelay $0x4  }
0x49: {  	[tilespmem:s25+$0x1C6D0] =	vst v1;
	v1 =	vld [tilespmem:s25+$0x186F0];
	_ =	sdelay $0x1  }
0x4a: {  	v0 =	vld.idx.msk [tilespmem:v0+s2+$0x0], $0xffff;
	_ =	sdelay $0x4  }
0x4b: {  	[tilespmem:s25+$0x1C6E0] =	vst v0;
	v0 =	vld [tilespmem:s25+$0x18700]  }
0x4c: {  	v1 =	vld.idx.msk [tilespmem:v1+s2+$0x0], $0xffff;
	_ =	sdelay $0x4  }
0x4d: {  	[tilespmem:s25+$0x1C6F0] =	vst v1;
	v1 =	vld [tilespmem:s25+$0x18710];
	_ =	sdelay $0x1  }
0x4e: {  	v0 =	vld.idx.msk [tilespmem:v0+s2+$0x0], $0xffff;
	_ =	sdelay $0x4  }
0x4f: {  	[tilespmem:s25+$0x1C700] =	vst v0  }
0x50: {  	v0 =	vld.idx.msk [tilespmem:v1+s2+$0x0], $0xffff;
	_ =	sdelay $0x3  }
0x51: {  	s22 =	sshll.u32 s22, $0xB  }
0x52: {  	s24 =	simm.s32 $0x0;
	s31 =	sadd.s32 s5, s22;
	s23 =	simm.s32 $0x0;
	[tilespmem:s25+$0x1C710] =	vst v0  }
0x53: {  	[hbm4b:s31+s24] =	stream.linear.scatter [tilespmem:s17], [sflag:$0x1], $0x800, $0x38;
	[tilespmem:$0x1D6A0] =	vst v63  }
0x54: {  	v0 =	vld [tilespmem:s23+$0x18EA0];
	_ =	sdelay $0x5  }
0x55: {  	v1 =	vld [tilespmem:s23+$0x18EB0];
	_ =	sdelay $0x1  }
0x56: {  	v0 =	vld.idx.msk [tilespmem:v0+s2+$0x0], $0xffff;
	_ =	sdelay $0x4  }
0x57: {  	[tilespmem:s23+$0x1CEA0] =	vst v0;
	v0 =	vld [tilespmem:s23+$0x18EC0]  }
0x58: {  	v1 =	vld.idx.msk [tilespmem:v1+s2+$0x0], $0xffff;
	_ =	sdelay $0x4  }
0x59: {  	[tilespmem:s23+$0x1CEB0] =	vst v1;
	v1 =	vld [tilespmem:s23+$0x18ED0];
	_ =	sdelay $0x1  }
0x5a: {  	v0 =	vld.idx.msk [tilespmem:v0+s2+$0x0], $0xffff;
	_ =	sdelay $0x4  }
0x5b: {  	[tilespmem:s23+$0x1CEC0] =	vst v0;
	v0 =	vld [tilespmem:s23+$0x18EE0]  }
0x5c: {  	v1 =	vld.idx.msk [tilespmem:v1+s2+$0x0], $0xffff;
	_ =	sdelay $0x4  }
0x5d: {  	[tilespmem:s23+$0x1CED0] =	vst v1;
	v1 =	vld [tilespmem:s23+$0x18EF0];
	_ =	sdelay $0x1  }
0x5e: {  	v0 =	vld.idx.msk [tilespmem:v0+s2+$0x0], $0xffff;
	_ =	sdelay $0x4  }
0x5f: {  	v2 =	vld [tilespmem:s23+$0x18F00];
	[tilespmem:s23+$0x1CEE0] =	vst v0  }
0x60: {  	v0 =	vld.idx.msk [tilespmem:v1+s2+$0x0], $0xffff;
	_ =	sdelay $0x4  }
0x61: {  	[tilespmem:s23+$0x1CEF0] =	vst v0;
	v0 =	vld [tilespmem:s23+$0x18F10];
	_ =	sdelay $0x1  }
0x62: {  	v1 =	vld.idx.msk [tilespmem:v2+s2+$0x0], $0xffff;
	_ =	sdelay $0x3  }
0x63: {  	s25 =	simm.s32 $0x80;
	s24 =	simm.s32 $0x400  }
.LBB2_5:
0x64: {  	p0 =	sne.s32 s24, $0x1E00;
	v2 =	vld [tilespmem:s25+$0x18EA0];
	[tilespmem:s23+$0x1CF00] =	vst v1  }
0x65: {  	v0 =	vld.idx.msk [tilespmem:v0+s2+$0x0], $0xffff;
	_ =	sdelay $0x5  }
0x66: {  	v1 =	vld [tilespmem:s25+$0x18EB0];
	[tilespmem:s23+$0x1CF10] =	vst v0;
	s23 =	smov.u32 s25  }
0x67: {  	v0 =	vld.idx.msk [tilespmem:v2+s2+$0x0], $0xffff;
	_ =	sdelay $0x5  }
0x68: {  	[tilespmem:s23+$0x1CEA0] =	vst v0;
	v0 =	vld [tilespmem:s23+$0x18EC0]  }
0x69: {  	v1 =	vld.idx.msk [tilespmem:v1+s2+$0x0], $0xffff;
	_ =	sdelay $0x5  }
0x6a: {  	[tilespmem:s23+$0x1CEB0] =	vst v1;
	v1 =	vld [tilespmem:s23+$0x18ED0]  }
0x6b: {  	v0 =	vld.idx.msk [tilespmem:v0+s2+$0x0], $0xffff;
	_ =	sdelay $0x5  }
0x6c: {  	[tilespmem:s23+$0x1CEC0] =	vst v0;
	v0 =	vld [tilespmem:s23+$0x18EE0]  }
0x6d: {  	v1 =	vld.idx.msk [tilespmem:v1+s2+$0x0], $0xffff;
	_ =	sdelay $0x5  }
0x6e: {  	[tilespmem:s23+$0x1CED0] =	vst v1;
	v1 =	vld [tilespmem:s23+$0x18EF0]  }
0x6f: {  	v0 =	vld.idx.msk [tilespmem:v0+s2+$0x0], $0xffff;
	_ =	sdelay $0x5  }
0x70: {  	[tilespmem:s23+$0x1CEE0] =	vst v0;
	v2 =	vld [tilespmem:s23+$0x18F00]  }
0x71: {  	v0 =	vld.idx.msk [tilespmem:v1+s2+$0x0], $0xffff;
	_ =	sdelay $0x5  }
0x72: {  	[tilespmem:s23+$0x1CEF0] =	vst v0;
	v0 =	vld [tilespmem:s23+$0x18F10]  }
0x73: {  	v1 =	vld.idx.msk [tilespmem:v2+s2+$0x0], $0xffff  }
.Ltmp1:
0x74: {  	(pc) =	sbr.rel @p0 .LBB2_5-.Ltmp1, $2  }
0x75: {  	_ =	sdelay $0x2  }
0x76: {  	s25 =	sshra.s32 s24, $0x2;
	s24 =	sadd.s32 $0x200, s24  }
0x77: {  	_ =	sdelay $0x1  }
0x78: {  	v2 =	vld [tilespmem:s25+$0x18EA0]  }
0x79: {  	[tilespmem:s23+$0x1CF00] =	vst v1  }
0x7a: {  	v0 =	vld.idx.msk [tilespmem:v0+s2+$0x0], $0xffff;
	_ =	sdelay $0x3  }
0x7b: {  	v1 =	vld [tilespmem:s25+$0x18EB0]  }
0x7c: {  	[tilespmem:s23+$0x1CF10] =	vst v0  }
0x7d: {  	v0 =	vld.idx.msk [tilespmem:v2+s2+$0x0], $0xffff;
	_ =	sdelay $0x4  }
0x7e: {  	[tilespmem:s25+$0x1CEA0] =	vst v0;
	v0 =	vld [tilespmem:s25+$0x18EC0]  }
0x7f: {  	v1 =	vld.idx.msk [tilespmem:v1+s2+$0x0], $0xffff;
	_ =	sdelay $0x4  }
0x80: {  	[tilespmem:s25+$0x1CEB0] =	vst v1;
	v1 =	vld [tilespmem:s25+$0x18ED0];
	_ =	sdelay $0x1  }
0x81: {  	v0 =	vld.idx.msk [tilespmem:v0+s2+$0x0], $0xffff;
	_ =	sdelay $0x4  }
0x82: {  	[tilespmem:s25+$0x1CEC0] =	vst v0;
	v0 =	vld [tilespmem:s25+$0x18EE0]  }
0x83: {  	v1 =	vld.idx.msk [tilespmem:v1+s2+$0x0], $0xffff;
	_ =	sdelay $0x4  }
0x84: {  	[tilespmem:s25+$0x1CED0] =	vst v1;
	v1 =	vld [tilespmem:s25+$0x18EF0];
	_ =	sdelay $0x1  }
0x85: {  	v0 =	vld.idx.msk [tilespmem:v0+s2+$0x0], $0xffff;
	_ =	sdelay $0x4  }
0x86: {  	[tilespmem:s25+$0x1CEE0] =	vst v0;
	v0 =	vld [tilespmem:s25+$0x18F00]  }
0x87: {  	v1 =	vld.idx.msk [tilespmem:v1+s2+$0x0], $0xffff;
	_ =	sdelay $0x4  }
0x88: {  	[tilespmem:s25+$0x1CEF0] =	vst v1;
	v1 =	vld [tilespmem:s25+$0x18F10];
	_ =	sdelay $0x1  }
0x89: {  	v0 =	vld.idx.msk [tilespmem:v0+s2+$0x0], $0xffff;
	_ =	sdelay $0x4  }
0x8a: {  	[tilespmem:s25+$0x1CF00] =	vst v0  }
0x8b: {  	v0 =	vld.idx.msk [tilespmem:v1+s2+$0x0], $0xffff;
	_ =	sdelay $0x4  }
0x8c: {  	s31 =	sadd.s32 s22, s7;
	s24 =	simm.s32 $0x0;
	[tilespmem:s25+$0x1CF10] =	vst v0  }
0x8d: {  	[hbm4b:s31+s24] =	stream.linear.scatter [tilespmem:s18], [sflag:$0x1], $0x800, $0x38;
	[tilespmem:$0x1D6A0] =	vst v63  }
0x8e: {  	_ =	swait.ge [sflag:s19], $0x800  }
0x8f: {  	[sflag:s19] =	ssyncset.done $0x0  }
0x90: {  	s23 =	simm.s32 $0x0;
	[sflag:s19] =	ssyncadd.s32 $0xFFFFF800  }
0x91: {  	v0 =	vld [tilespmem:s23+$0x196A0];
	_ =	sdelay $0x5  }
0x92: {  	v1 =	vld [tilespmem:s23+$0x196B0];
	_ =	sdelay $0x1  }
0x93: {  	v0 =	vld.idx.msk [tilespmem:v0+s2+$0x0], $0xffff;
	_ =	sdelay $0x4  }
0x94: {  	[tilespmem:s23+$0x1C6A0] =	vst v0;
	v0 =	vld [tilespmem:s23+$0x196C0]  }
0x95: {  	v1 =	vld.idx.msk [tilespmem:v1+s2+$0x0], $0xffff;
	_ =	sdelay $0x4  }
0x96: {  	[tilespmem:s23+$0x1C6B0] =	vst v1;
	v1 =	vld [tilespmem:s23+$0x196D0];
	_ =	sdelay $0x1  }
0x97: {  	v0 =	vld.idx.msk [tilespmem:v0+s2+$0x0], $0xffff;
	_ =	sdelay $0x4  }
0x98: {  	[tilespmem:s23+$0x1C6C0] =	vst v0;
	v0 =	vld [tilespmem:s23+$0x196E0]  }
0x99: {  	v1 =	vld.idx.msk [tilespmem:v1+s2+$0x0], $0xffff;
	_ =	sdelay $0x4  }
0x9a: {  	[tilespmem:s23+$0x1C6D0] =	vst v1;
	v1 =	vld [tilespmem:s23+$0x196F0];
	_ =	sdelay $0x1  }
0x9b: {  	v0 =	vld.idx.msk [tilespmem:v0+s2+$0x0], $0xffff;
	_ =	sdelay $0x4  }
0x9c: {  	v2 =	vld [tilespmem:s23+$0x19700];
	[tilespmem:s23+$0x1C6E0] =	vst v0  }
0x9d: {  	v0 =	vld.idx.msk [tilespmem:v1+s2+$0x0], $0xffff;
	_ =	sdelay $0x4  }
0x9e: {  	[tilespmem:s23+$0x1C6F0] =	vst v0;
	v0 =	vld [tilespmem:s23+$0x19710];
	_ =	sdelay $0x1  }
0x9f: {  	v1 =	vld.idx.msk [tilespmem:v2+s2+$0x0], $0xffff;
	_ =	sdelay $0x3  }
0xa0: {  	s25 =	simm.s32 $0x80;
	s24 =	simm.s32 $0x400  }
.LBB2_7:
0xa1: {  	p0 =	sne.s32 s24, $0x1E00;
	v2 =	vld [tilespmem:s25+$0x196A0];
	[tilespmem:s23+$0x1C700] =	vst v1  }
0xa2: {  	v0 =	vld.idx.msk [tilespmem:v0+s2+$0x0], $0xffff;
	_ =	sdelay $0x5  }
0xa3: {  	v1 =	vld [tilespmem:s25+$0x196B0];
	[tilespmem:s23+$0x1C710] =	vst v0;
	s23 =	smov.u32 s25  }
0xa4: {  	v0 =	vld.idx.msk [tilespmem:v2+s2+$0x0], $0xffff;
	_ =	sdelay $0x5  }
0xa5: {  	[tilespmem:s23+$0x1C6A0] =	vst v0;
	v0 =	vld [tilespmem:s23+$0x196C0]  }
0xa6: {  	v1 =	vld.idx.msk [tilespmem:v1+s2+$0x0], $0xffff;
	_ =	sdelay $0x5  }
0xa7: {  	[tilespmem:s23+$0x1C6B0] =	vst v1;
	v1 =	vld [tilespmem:s23+$0x196D0]  }
0xa8: {  	v0 =	vld.idx.msk [tilespmem:v0+s2+$0x0], $0xffff;
	_ =	sdelay $0x5  }
0xa9: {  	[tilespmem:s23+$0x1C6C0] =	vst v0;
	v0 =	vld [tilespmem:s23+$0x196E0]  }
0xaa: {  	v1 =	vld.idx.msk [tilespmem:v1+s2+$0x0], $0xffff;
	_ =	sdelay $0x5  }
0xab: {  	[tilespmem:s23+$0x1C6D0] =	vst v1;
	v1 =	vld [tilespmem:s23+$0x196F0]  }
0xac: {  	v0 =	vld.idx.msk [tilespmem:v0+s2+$0x0], $0xffff;
	_ =	sdelay $0x5  }
0xad: {  	[tilespmem:s23+$0x1C6E0] =	vst v0;
	v2 =	vld [tilespmem:s23+$0x19700]  }
0xae: {  	v0 =	vld.idx.msk [tilespmem:v1+s2+$0x0], $0xffff;
	_ =	sdelay $0x5  }
0xaf: {  	[tilespmem:s23+$0x1C6F0] =	vst v0;
	v0 =	vld [tilespmem:s23+$0x19710]  }
0xb0: {  	v1 =	vld.idx.msk [tilespmem:v2+s2+$0x0], $0xffff  }
.Ltmp2:
0xb1: {  	(pc) =	sbr.rel @p0 .LBB2_7-.Ltmp2, $2  }
0xb2: {  	_ =	sdelay $0x2  }
0xb3: {  	s25 =	sshra.s32 s24, $0x2;
	s24 =	sadd.s32 $0x200, s24  }
0xb4: {  	_ =	sdelay $0x1  }
0xb5: {  	v2 =	vld [tilespmem:s25+$0x196A0]  }
0xb6: {  	[tilespmem:s23+$0x1C700] =	vst v1  }
0xb7: {  	v0 =	vld.idx.msk [tilespmem:v0+s2+$0x0], $0xffff;
	_ =	sdelay $0x3  }
0xb8: {  	v1 =	vld [tilespmem:s25+$0x196B0]  }
0xb9: {  	[tilespmem:s23+$0x1C710] =	vst v0  }
0xba: {  	v0 =	vld.idx.msk [tilespmem:v2+s2+$0x0], $0xffff;
	_ =	sdelay $0x4  }
0xbb: {  	[tilespmem:s25+$0x1C6A0] =	vst v0;
	v0 =	vld [tilespmem:s25+$0x196C0]  }
0xbc: {  	v1 =	vld.idx.msk [tilespmem:v1+s2+$0x0], $0xffff;
	_ =	sdelay $0x4  }
0xbd: {  	[tilespmem:s25+$0x1C6B0] =	vst v1;
	v1 =	vld [tilespmem:s25+$0x196D0];
	_ =	sdelay $0x1  }
0xbe: {  	v0 =	vld.idx.msk [tilespmem:v0+s2+$0x0], $0xffff;
	_ =	sdelay $0x4  }
0xbf: {  	[tilespmem:s25+$0x1C6C0] =	vst v0;
	v0 =	vld [tilespmem:s25+$0x196E0]  }
0xc0: {  	v1 =	vld.idx.msk [tilespmem:v1+s2+$0x0], $0xffff;
	_ =	sdelay $0x4  }
0xc1: {  	[tilespmem:s25+$0x1C6D0] =	vst v1;
	v1 =	vld [tilespmem:s25+$0x196F0];
	_ =	sdelay $0x1  }
0xc2: {  	v0 =	vld.idx.msk [tilespmem:v0+s2+$0x0], $0xffff;
	_ =	sdelay $0x4  }
0xc3: {  	[tilespmem:s25+$0x1C6E0] =	vst v0;
	v0 =	vld [tilespmem:s25+$0x19700]  }
0xc4: {  	v1 =	vld.idx.msk [tilespmem:v1+s2+$0x0], $0xffff;
	_ =	sdelay $0x4  }
0xc5: {  	[tilespmem:s25+$0x1C6F0] =	vst v1;
	v1 =	vld [tilespmem:s25+$0x19710];
	_ =	sdelay $0x1  }
0xc6: {  	v0 =	vld.idx.msk [tilespmem:v0+s2+$0x0], $0xffff;
	_ =	sdelay $0x4  }
0xc7: {  	[tilespmem:s25+$0x1C700] =	vst v0  }
0xc8: {  	v0 =	vld.idx.msk [tilespmem:v1+s2+$0x0], $0xffff;
	_ =	sdelay $0x4  }
0xc9: {  	s31 =	sadd.s32 s22, s8;
	s24 =	simm.s32 $0x0;
	[tilespmem:s25+$0x1C710] =	vst v0  }
0xca: {  	[hbm4b:s31+s24] =	stream.linear.scatter [tilespmem:s17], [sflag:$0x1], $0x800, $0x38;
	[tilespmem:$0x1D6A0] =	vst v63  }
0xcb: {  	_ =	swait.ge [sflag:s19], $0x800  }
0xcc: {  	[sflag:s19] =	ssyncset.done $0x0  }
0xcd: {  	s23 =	simm.s32 $0x0;
	[sflag:s19] =	ssyncadd.s32 $0xFFFFF800  }
0xce: {  	v0 =	vld [tilespmem:s23+$0x19EA0];
	_ =	sdelay $0x5  }
0xcf: {  	v1 =	vld [tilespmem:s23+$0x19EB0];
	_ =	sdelay $0x1  }
0xd0: {  	v0 =	vld.idx.msk [tilespmem:v0+s2+$0x0], $0xffff;
	_ =	sdelay $0x4  }
0xd1: {  	[tilespmem:s23+$0x1CEA0] =	vst v0;
	v0 =	vld [tilespmem:s23+$0x19EC0]  }
0xd2: {  	v1 =	vld.idx.msk [tilespmem:v1+s2+$0x0], $0xffff;
	_ =	sdelay $0x4  }
0xd3: {  	[tilespmem:s23+$0x1CEB0] =	vst v1;
	v1 =	vld [tilespmem:s23+$0x19ED0];
	_ =	sdelay $0x1  }
0xd4: {  	v0 =	vld.idx.msk [tilespmem:v0+s2+$0x0], $0xffff;
	_ =	sdelay $0x4  }
0xd5: {  	[tilespmem:s23+$0x1CEC0] =	vst v0;
	v0 =	vld [tilespmem:s23+$0x19EE0]  }
0xd6: {  	v1 =	vld.idx.msk [tilespmem:v1+s2+$0x0], $0xffff;
	_ =	sdelay $0x4  }
0xd7: {  	[tilespmem:s23+$0x1CED0] =	vst v1;
	v1 =	vld [tilespmem:s23+$0x19EF0];
	_ =	sdelay $0x1  }
0xd8: {  	v0 =	vld.idx.msk [tilespmem:v0+s2+$0x0], $0xffff;
	_ =	sdelay $0x4  }
0xd9: {  	v2 =	vld [tilespmem:s23+$0x19F00];
	[tilespmem:s23+$0x1CEE0] =	vst v0  }
0xda: {  	v0 =	vld.idx.msk [tilespmem:v1+s2+$0x0], $0xffff;
	_ =	sdelay $0x4  }
0xdb: {  	[tilespmem:s23+$0x1CEF0] =	vst v0;
	v0 =	vld [tilespmem:s23+$0x19F10];
	_ =	sdelay $0x1  }
0xdc: {  	v1 =	vld.idx.msk [tilespmem:v2+s2+$0x0], $0xffff;
	_ =	sdelay $0x3  }
0xdd: {  	s25 =	simm.s32 $0x80;
	s24 =	simm.s32 $0x400  }
.LBB2_9:
0xde: {  	p0 =	sne.s32 s24, $0x1E00;
	v2 =	vld [tilespmem:s25+$0x19EA0];
	[tilespmem:s23+$0x1CF00] =	vst v1  }
0xdf: {  	v0 =	vld.idx.msk [tilespmem:v0+s2+$0x0], $0xffff;
	_ =	sdelay $0x5  }
0xe0: {  	v1 =	vld [tilespmem:s25+$0x19EB0];
	[tilespmem:s23+$0x1CF10] =	vst v0;
	s23 =	smov.u32 s25  }
0xe1: {  	v0 =	vld.idx.msk [tilespmem:v2+s2+$0x0], $0xffff;
	_ =	sdelay $0x5  }
0xe2: {  	[tilespmem:s23+$0x1CEA0] =	vst v0;
	v0 =	vld [tilespmem:s23+$0x19EC0]  }
0xe3: {  	v1 =	vld.idx.msk [tilespmem:v1+s2+$0x0], $0xffff;
	_ =	sdelay $0x5  }
0xe4: {  	[tilespmem:s23+$0x1CEB0] =	vst v1;
	v1 =	vld [tilespmem:s23+$0x19ED0]  }
0xe5: {  	v0 =	vld.idx.msk [tilespmem:v0+s2+$0x0], $0xffff;
	_ =	sdelay $0x5  }
0xe6: {  	[tilespmem:s23+$0x1CEC0] =	vst v0;
	v0 =	vld [tilespmem:s23+$0x19EE0]  }
0xe7: {  	v1 =	vld.idx.msk [tilespmem:v1+s2+$0x0], $0xffff;
	_ =	sdelay $0x5  }
0xe8: {  	[tilespmem:s23+$0x1CED0] =	vst v1;
	v1 =	vld [tilespmem:s23+$0x19EF0]  }
0xe9: {  	v0 =	vld.idx.msk [tilespmem:v0+s2+$0x0], $0xffff;
	_ =	sdelay $0x5  }
0xea: {  	[tilespmem:s23+$0x1CEE0] =	vst v0;
	v2 =	vld [tilespmem:s23+$0x19F00]  }
0xeb: {  	v0 =	vld.idx.msk [tilespmem:v1+s2+$0x0], $0xffff;
	_ =	sdelay $0x5  }
0xec: {  	[tilespmem:s23+$0x1CEF0] =	vst v0;
	v0 =	vld [tilespmem:s23+$0x19F10]  }
0xed: {  	v1 =	vld.idx.msk [tilespmem:v2+s2+$0x0], $0xffff  }
.Ltmp3:
0xee: {  	(pc) =	sbr.rel @p0 .LBB2_9-.Ltmp3, $2  }
0xef: {  	_ =	sdelay $0x2  }
0xf0: {  	s25 =	sshra.s32 s24, $0x2;
	s24 =	sadd.s32 $0x200, s24  }
0xf1: {  	_ =	sdelay $0x1  }
0xf2: {  	v2 =	vld [tilespmem:s25+$0x19EA0]  }
0xf3: {  	[tilespmem:s23+$0x1CF00] =	vst v1  }
0xf4: {  	v0 =	vld.idx.msk [tilespmem:v0+s2+$0x0], $0xffff;
	_ =	sdelay $0x3  }
0xf5: {  	v1 =	vld [tilespmem:s25+$0x19EB0]  }
0xf6: {  	[tilespmem:s23+$0x1CF10] =	vst v0  }
0xf7: {  	v0 =	vld.idx.msk [tilespmem:v2+s2+$0x0], $0xffff;
	_ =	sdelay $0x4  }
0xf8: {  	[tilespmem:s25+$0x1CEA0] =	vst v0;
	v0 =	vld [tilespmem:s25+$0x19EC0]  }
0xf9: {  	v1 =	vld.idx.msk [tilespmem:v1+s2+$0x0], $0xffff;
	_ =	sdelay $0x4  }
0xfa: {  	[tilespmem:s25+$0x1CEB0] =	vst v1;
	v1 =	vld [tilespmem:s25+$0x19ED0];
	_ =	sdelay $0x1  }
0xfb: {  	v0 =	vld.idx.msk [tilespmem:v0+s2+$0x0], $0xffff;
	_ =	sdelay $0x4  }
0xfc: {  	[tilespmem:s25+$0x1CEC0] =	vst v0;
	v0 =	vld [tilespmem:s25+$0x19EE0]  }
0xfd: {  	v1 =	vld.idx.msk [tilespmem:v1+s2+$0x0], $0xffff;
	_ =	sdelay $0x4  }
0xfe: {  	[tilespmem:s25+$0x1CED0] =	vst v1;
	v1 =	vld [tilespmem:s25+$0x19EF0];
	_ =	sdelay $0x1  }
0xff: {  	v0 =	vld.idx.msk [tilespmem:v0+s2+$0x0], $0xffff;
	_ =	sdelay $0x4  }
0x100: {  	[tilespmem:s25+$0x1CEE0] =	vst v0;
	v0 =	vld [tilespmem:s25+$0x19F00]  }
0x101: {  	v1 =	vld.idx.msk [tilespmem:v1+s2+$0x0], $0xffff;
	_ =	sdelay $0x4  }
0x102: {  	[tilespmem:s25+$0x1CEF0] =	vst v1;
	v1 =	vld [tilespmem:s25+$0x19F10];
	_ =	sdelay $0x1  }
0x103: {  	v0 =	vld.idx.msk [tilespmem:v0+s2+$0x0], $0xffff;
	_ =	sdelay $0x4  }
0x104: {  	[tilespmem:s25+$0x1CF00] =	vst v0  }
0x105: {  	v0 =	vld.idx.msk [tilespmem:v1+s2+$0x0], $0xffff;
	_ =	sdelay $0x4  }
0x106: {  	s31 =	sadd.s32 s22, s9;
	s24 =	simm.s32 $0x0;
	[tilespmem:s25+$0x1CF10] =	vst v0  }
0x107: {  	[hbm4b:s31+s24] =	stream.linear.scatter [tilespmem:s18], [sflag:$0x1], $0x800, $0x38;
	[tilespmem:$0x1D6A0] =	vst v63  }
0x108: {  	_ =	swait.ge [sflag:s19], $0x800  }
0x109: {  	[sflag:s19] =	ssyncset.done $0x0  }
0x10a: {  	s23 =	simm.s32 $0x0;
	[sflag:s19] =	ssyncadd.s32 $0xFFFFF800  }
0x10b: {  	v0 =	vld [tilespmem:s23+$0x1A6A0];
	_ =	sdelay $0x5  }
0x10c: {  	v1 =	vld [tilespmem:s23+$0x1A6B0];
	_ =	sdelay $0x1  }
0x10d: {  	v0 =	vld.idx.msk [tilespmem:v0+s2+$0x0], $0xffff;
	_ =	sdelay $0x4  }
0x10e: {  	[tilespmem:s23+$0x1C6A0] =	vst v0;
	v0 =	vld [tilespmem:s23+$0x1A6C0]  }
0x10f: {  	v1 =	vld.idx.msk [tilespmem:v1+s2+$0x0], $0xffff;
	_ =	sdelay $0x4  }
0x110: {  	[tilespmem:s23+$0x1C6B0] =	vst v1;
	v1 =	vld [tilespmem:s23+$0x1A6D0];
	_ =	sdelay $0x1  }
0x111: {  	v0 =	vld.idx.msk [tilespmem:v0+s2+$0x0], $0xffff;
	_ =	sdelay $0x4  }
0x112: {  	[tilespmem:s23+$0x1C6C0] =	vst v0;
	v0 =	vld [tilespmem:s23+$0x1A6E0]  }
0x113: {  	v1 =	vld.idx.msk [tilespmem:v1+s2+$0x0], $0xffff;
	_ =	sdelay $0x4  }
0x114: {  	[tilespmem:s23+$0x1C6D0] =	vst v1;
	v1 =	vld [tilespmem:s23+$0x1A6F0];
	_ =	sdelay $0x1  }
0x115: {  	v0 =	vld.idx.msk [tilespmem:v0+s2+$0x0], $0xffff;
	_ =	sdelay $0x4  }
0x116: {  	v2 =	vld [tilespmem:s23+$0x1A700];
	[tilespmem:s23+$0x1C6E0] =	vst v0  }
0x117: {  	v0 =	vld.idx.msk [tilespmem:v1+s2+$0x0], $0xffff;
	_ =	sdelay $0x4  }
0x118: {  	[tilespmem:s23+$0x1C6F0] =	vst v0;
	v0 =	vld [tilespmem:s23+$0x1A710];
	_ =	sdelay $0x1  }
0x119: {  	v1 =	vld.idx.msk [tilespmem:v2+s2+$0x0], $0xffff;
	_ =	sdelay $0x3  }
0x11a: {  	s25 =	simm.s32 $0x80;
	s24 =	simm.s32 $0x400  }
.LBB2_11:
0x11b: {  	p0 =	sne.s32 s24, $0x1E00;
	v2 =	vld [tilespmem:s25+$0x1A6A0];
	[tilespmem:s23+$0x1C700] =	vst v1  }
0x11c: {  	v0 =	vld.idx.msk [tilespmem:v0+s2+$0x0], $0xffff;
	_ =	sdelay $0x5  }
0x11d: {  	v1 =	vld [tilespmem:s25+$0x1A6B0];
	[tilespmem:s23+$0x1C710] =	vst v0;
	s23 =	smov.u32 s25  }
0x11e: {  	v0 =	vld.idx.msk [tilespmem:v2+s2+$0x0], $0xffff;
	_ =	sdelay $0x5  }
0x11f: {  	[tilespmem:s23+$0x1C6A0] =	vst v0;
	v0 =	vld [tilespmem:s23+$0x1A6C0]  }
0x120: {  	v1 =	vld.idx.msk [tilespmem:v1+s2+$0x0], $0xffff;
	_ =	sdelay $0x5  }
0x121: {  	[tilespmem:s23+$0x1C6B0] =	vst v1;
	v1 =	vld [tilespmem:s23+$0x1A6D0]  }
0x122: {  	v0 =	vld.idx.msk [tilespmem:v0+s2+$0x0], $0xffff;
	_ =	sdelay $0x5  }
0x123: {  	[tilespmem:s23+$0x1C6C0] =	vst v0;
	v0 =	vld [tilespmem:s23+$0x1A6E0]  }
0x124: {  	v1 =	vld.idx.msk [tilespmem:v1+s2+$0x0], $0xffff;
	_ =	sdelay $0x5  }
0x125: {  	[tilespmem:s23+$0x1C6D0] =	vst v1;
	v1 =	vld [tilespmem:s23+$0x1A6F0]  }
0x126: {  	v0 =	vld.idx.msk [tilespmem:v0+s2+$0x0], $0xffff;
	_ =	sdelay $0x5  }
0x127: {  	[tilespmem:s23+$0x1C6E0] =	vst v0;
	v2 =	vld [tilespmem:s23+$0x1A700]  }
0x128: {  	v0 =	vld.idx.msk [tilespmem:v1+s2+$0x0], $0xffff;
	_ =	sdelay $0x5  }
0x129: {  	[tilespmem:s23+$0x1C6F0] =	vst v0;
	v0 =	vld [tilespmem:s23+$0x1A710]  }
0x12a: {  	v1 =	vld.idx.msk [tilespmem:v2+s2+$0x0], $0xffff  }
.Ltmp4:
0x12b: {  	(pc) =	sbr.rel @p0 .LBB2_11-.Ltmp4, $2  }
0x12c: {  	_ =	sdelay $0x2  }
0x12d: {  	s25 =	sshra.s32 s24, $0x2;
	s24 =	sadd.s32 $0x200, s24  }
0x12e: {  	_ =	sdelay $0x1  }
0x12f: {  	v2 =	vld [tilespmem:s25+$0x1A6A0]  }
0x130: {  	[tilespmem:s23+$0x1C700] =	vst v1  }
0x131: {  	v0 =	vld.idx.msk [tilespmem:v0+s2+$0x0], $0xffff;
	_ =	sdelay $0x3  }
0x132: {  	v1 =	vld [tilespmem:s25+$0x1A6B0]  }
0x133: {  	[tilespmem:s23+$0x1C710] =	vst v0  }
0x134: {  	v0 =	vld.idx.msk [tilespmem:v2+s2+$0x0], $0xffff;
	_ =	sdelay $0x4  }
0x135: {  	[tilespmem:s25+$0x1C6A0] =	vst v0;
	v0 =	vld [tilespmem:s25+$0x1A6C0]  }
0x136: {  	v1 =	vld.idx.msk [tilespmem:v1+s2+$0x0], $0xffff;
	_ =	sdelay $0x4  }
0x137: {  	[tilespmem:s25+$0x1C6B0] =	vst v1;
	v1 =	vld [tilespmem:s25+$0x1A6D0];
	_ =	sdelay $0x1  }
0x138: {  	v0 =	vld.idx.msk [tilespmem:v0+s2+$0x0], $0xffff;
	_ =	sdelay $0x4  }
0x139: {  	[tilespmem:s25+$0x1C6C0] =	vst v0;
	v0 =	vld [tilespmem:s25+$0x1A6E0]  }
0x13a: {  	v1 =	vld.idx.msk [tilespmem:v1+s2+$0x0], $0xffff;
	_ =	sdelay $0x4  }
0x13b: {  	[tilespmem:s25+$0x1C6D0] =	vst v1;
	v1 =	vld [tilespmem:s25+$0x1A6F0];
	_ =	sdelay $0x1  }
0x13c: {  	v0 =	vld.idx.msk [tilespmem:v0+s2+$0x0], $0xffff;
	_ =	sdelay $0x4  }
0x13d: {  	[tilespmem:s25+$0x1C6E0] =	vst v0;
	v0 =	vld [tilespmem:s25+$0x1A700]  }
0x13e: {  	v1 =	vld.idx.msk [tilespmem:v1+s2+$0x0], $0xffff;
	_ =	sdelay $0x4  }
0x13f: {  	[tilespmem:s25+$0x1C6F0] =	vst v1;
	v1 =	vld [tilespmem:s25+$0x1A710];
	_ =	sdelay $0x1  }
0x140: {  	v0 =	vld.idx.msk [tilespmem:v0+s2+$0x0], $0xffff;
	_ =	sdelay $0x4  }
0x141: {  	[tilespmem:s25+$0x1C700] =	vst v0  }
0x142: {  	v0 =	vld.idx.msk [tilespmem:v1+s2+$0x0], $0xffff;
	_ =	sdelay $0x4  }
0x143: {  	s31 =	sadd.s32 s22, s10;
	s24 =	simm.s32 $0x0;
	[tilespmem:s25+$0x1C710] =	vst v0  }
0x144: {  	[hbm4b:s31+s24] =	stream.linear.scatter [tilespmem:s17], [sflag:$0x1], $0x800, $0x38;
	[tilespmem:$0x1D6A0] =	vst v63  }
0x145: {  	_ =	swait.ge [sflag:s19], $0x800  }
0x146: {  	[sflag:s19] =	ssyncset.done $0x0  }
0x147: {  	s23 =	simm.s32 $0x0;
	[sflag:s19] =	ssyncadd.s32 $0xFFFFF800  }
0x148: {  	v0 =	vld [tilespmem:s23+$0x1AEA0];
	_ =	sdelay $0x5  }
0x149: {  	v1 =	vld [tilespmem:s23+$0x1AEB0];
	_ =	sdelay $0x1  }
0x14a: {  	v0 =	vld.idx.msk [tilespmem:v0+s2+$0x0], $0xffff;
	_ =	sdelay $0x4  }
0x14b: {  	[tilespmem:s23+$0x1CEA0] =	vst v0;
	v0 =	vld [tilespmem:s23+$0x1AEC0]  }
0x14c: {  	v1 =	vld.idx.msk [tilespmem:v1+s2+$0x0], $0xffff;
	_ =	sdelay $0x4  }
0x14d: {  	[tilespmem:s23+$0x1CEB0] =	vst v1;
	v1 =	vld [tilespmem:s23+$0x1AED0];
	_ =	sdelay $0x1  }
0x14e: {  	v0 =	vld.idx.msk [tilespmem:v0+s2+$0x0], $0xffff;
	_ =	sdelay $0x4  }
0x14f: {  	[tilespmem:s23+$0x1CEC0] =	vst v0;
	v0 =	vld [tilespmem:s23+$0x1AEE0]  }
0x150: {  	v1 =	vld.idx.msk [tilespmem:v1+s2+$0x0], $0xffff;
	_ =	sdelay $0x4  }
0x151: {  	[tilespmem:s23+$0x1CED0] =	vst v1;
	v1 =	vld [tilespmem:s23+$0x1AEF0];
	_ =	sdelay $0x1  }
0x152: {  	v0 =	vld.idx.msk [tilespmem:v0+s2+$0x0], $0xffff;
	_ =	sdelay $0x4  }
0x153: {  	v2 =	vld [tilespmem:s23+$0x1AF00];
	[tilespmem:s23+$0x1CEE0] =	vst v0  }
0x154: {  	v0 =	vld.idx.msk [tilespmem:v1+s2+$0x0], $0xffff;
	_ =	sdelay $0x4  }
0x155: {  	[tilespmem:s23+$0x1CEF0] =	vst v0;
	v0 =	vld [tilespmem:s23+$0x1AF10];
	_ =	sdelay $0x1  }
0x156: {  	v1 =	vld.idx.msk [tilespmem:v2+s2+$0x0], $0xffff;
	_ =	sdelay $0x3  }
0x157: {  	s25 =	simm.s32 $0x80;
	s24 =	simm.s32 $0x400  }
.LBB2_13:
0x158: {  	p0 =	sne.s32 s24, $0x1E00;
	v2 =	vld [tilespmem:s25+$0x1AEA0];
	[tilespmem:s23+$0x1CF00] =	vst v1  }
0x159: {  	v0 =	vld.idx.msk [tilespmem:v0+s2+$0x0], $0xffff;
	_ =	sdelay $0x5  }
0x15a: {  	v1 =	vld [tilespmem:s25+$0x1AEB0];
	[tilespmem:s23+$0x1CF10] =	vst v0;
	s23 =	smov.u32 s25  }
0x15b: {  	v0 =	vld.idx.msk [tilespmem:v2+s2+$0x0], $0xffff;
	_ =	sdelay $0x5  }
0x15c: {  	[tilespmem:s23+$0x1CEA0] =	vst v0;
	v0 =	vld [tilespmem:s23+$0x1AEC0]  }
0x15d: {  	v1 =	vld.idx.msk [tilespmem:v1+s2+$0x0], $0xffff;
	_ =	sdelay $0x5  }
0x15e: {  	[tilespmem:s23+$0x1CEB0] =	vst v1;
	v1 =	vld [tilespmem:s23+$0x1AED0]  }
0x15f: {  	v0 =	vld.idx.msk [tilespmem:v0+s2+$0x0], $0xffff;
	_ =	sdelay $0x5  }
0x160: {  	[tilespmem:s23+$0x1CEC0] =	vst v0;
	v0 =	vld [tilespmem:s23+$0x1AEE0]  }
0x161: {  	v1 =	vld.idx.msk [tilespmem:v1+s2+$0x0], $0xffff;
	_ =	sdelay $0x5  }
0x162: {  	[tilespmem:s23+$0x1CED0] =	vst v1;
	v1 =	vld [tilespmem:s23+$0x1AEF0]  }
0x163: {  	v0 =	vld.idx.msk [tilespmem:v0+s2+$0x0], $0xffff;
	_ =	sdelay $0x5  }
0x164: {  	[tilespmem:s23+$0x1CEE0] =	vst v0;
	v2 =	vld [tilespmem:s23+$0x1AF00]  }
0x165: {  	v0 =	vld.idx.msk [tilespmem:v1+s2+$0x0], $0xffff;
	_ =	sdelay $0x5  }
0x166: {  	[tilespmem:s23+$0x1CEF0] =	vst v0;
	v0 =	vld [tilespmem:s23+$0x1AF10]  }
0x167: {  	v1 =	vld.idx.msk [tilespmem:v2+s2+$0x0], $0xffff  }
.Ltmp5:
0x168: {  	(pc) =	sbr.rel @p0 .LBB2_13-.Ltmp5, $2  }
0x169: {  	_ =	sdelay $0x2  }
0x16a: {  	s25 =	sshra.s32 s24, $0x2;
	s24 =	sadd.s32 $0x200, s24  }
0x16b: {  	_ =	sdelay $0x1  }
0x16c: {  	v2 =	vld [tilespmem:s25+$0x1AEA0]  }
0x16d: {  	[tilespmem:s23+$0x1CF00] =	vst v1  }
0x16e: {  	v0 =	vld.idx.msk [tilespmem:v0+s2+$0x0], $0xffff;
	_ =	sdelay $0x3  }
0x16f: {  	v1 =	vld [tilespmem:s25+$0x1AEB0]  }
0x170: {  	[tilespmem:s23+$0x1CF10] =	vst v0  }
0x171: {  	v0 =	vld.idx.msk [tilespmem:v2+s2+$0x0], $0xffff;
	_ =	sdelay $0x4  }
0x172: {  	[tilespmem:s25+$0x1CEA0] =	vst v0;
	v0 =	vld [tilespmem:s25+$0x1AEC0]  }
0x173: {  	v1 =	vld.idx.msk [tilespmem:v1+s2+$0x0], $0xffff;
	_ =	sdelay $0x4  }
0x174: {  	[tilespmem:s25+$0x1CEB0] =	vst v1;
	v1 =	vld [tilespmem:s25+$0x1AED0];
	_ =	sdelay $0x1  }
0x175: {  	v0 =	vld.idx.msk [tilespmem:v0+s2+$0x0], $0xffff;
	_ =	sdelay $0x4  }
0x176: {  	[tilespmem:s25+$0x1CEC0] =	vst v0;
	v0 =	vld [tilespmem:s25+$0x1AEE0]  }
0x177: {  	v1 =	vld.idx.msk [tilespmem:v1+s2+$0x0], $0xffff;
	_ =	sdelay $0x4  }
0x178: {  	[tilespmem:s25+$0x1CED0] =	vst v1;
	v1 =	vld [tilespmem:s25+$0x1AEF0];
	_ =	sdelay $0x1  }
0x179: {  	v0 =	vld.idx.msk [tilespmem:v0+s2+$0x0], $0xffff;
	_ =	sdelay $0x4  }
0x17a: {  	[tilespmem:s25+$0x1CEE0] =	vst v0;
	v0 =	vld [tilespmem:s25+$0x1AF00]  }
0x17b: {  	v1 =	vld.idx.msk [tilespmem:v1+s2+$0x0], $0xffff;
	_ =	sdelay $0x4  }
0x17c: {  	[tilespmem:s25+$0x1CEF0] =	vst v1;
	v1 =	vld [tilespmem:s25+$0x1AF10];
	_ =	sdelay $0x1  }
0x17d: {  	v0 =	vld.idx.msk [tilespmem:v0+s2+$0x0], $0xffff;
	_ =	sdelay $0x4  }
0x17e: {  	[tilespmem:s25+$0x1CF00] =	vst v0  }
0x17f: {  	v0 =	vld.idx.msk [tilespmem:v1+s2+$0x0], $0xffff;
	_ =	sdelay $0x4  }
0x180: {  	s31 =	sadd.s32 s22, s11;
	s24 =	simm.s32 $0x0;
	[tilespmem:s25+$0x1CF10] =	vst v0  }
0x181: {  	[hbm4b:s31+s24] =	stream.linear.scatter [tilespmem:s18], [sflag:$0x1], $0x800, $0x38;
	[tilespmem:$0x1D6A0] =	vst v63  }
0x182: {  	_ =	swait.ge [sflag:s19], $0x800  }
0x183: {  	[sflag:s19] =	ssyncset.done $0x0  }
0x184: {  	s23 =	simm.s32 $0x0;
	[sflag:s19] =	ssyncadd.s32 $0xFFFFF800  }
0x185: {  	v0 =	vld [tilespmem:s23+$0x1B6A0];
	_ =	sdelay $0x5  }
0x186: {  	v1 =	vld [tilespmem:s23+$0x1B6B0];
	_ =	sdelay $0x1  }
0x187: {  	v0 =	vld.idx.msk [tilespmem:v0+s2+$0x0], $0xffff;
	_ =	sdelay $0x4  }
0x188: {  	[tilespmem:s23+$0x1C6A0] =	vst v0;
	v0 =	vld [tilespmem:s23+$0x1B6C0]  }
0x189: {  	v1 =	vld.idx.msk [tilespmem:v1+s2+$0x0], $0xffff;
	_ =	sdelay $0x4  }
0x18a: {  	[tilespmem:s23+$0x1C6B0] =	vst v1;
	v1 =	vld [tilespmem:s23+$0x1B6D0];
	_ =	sdelay $0x1  }
0x18b: {  	v0 =	vld.idx.msk [tilespmem:v0+s2+$0x0], $0xffff;
	_ =	sdelay $0x4  }
0x18c: {  	[tilespmem:s23+$0x1C6C0] =	vst v0;
	v0 =	vld [tilespmem:s23+$0x1B6E0]  }
0x18d: {  	v1 =	vld.idx.msk [tilespmem:v1+s2+$0x0], $0xffff;
	_ =	sdelay $0x4  }
0x18e: {  	[tilespmem:s23+$0x1C6D0] =	vst v1;
	v1 =	vld [tilespmem:s23+$0x1B6F0];
	_ =	sdelay $0x1  }
0x18f: {  	v0 =	vld.idx.msk [tilespmem:v0+s2+$0x0], $0xffff;
	_ =	sdelay $0x4  }
0x190: {  	v2 =	vld [tilespmem:s23+$0x1B700];
	[tilespmem:s23+$0x1C6E0] =	vst v0  }
0x191: {  	v0 =	vld.idx.msk [tilespmem:v1+s2+$0x0], $0xffff;
	_ =	sdelay $0x4  }
0x192: {  	[tilespmem:s23+$0x1C6F0] =	vst v0;
	v0 =	vld [tilespmem:s23+$0x1B710];
	_ =	sdelay $0x1  }
0x193: {  	v1 =	vld.idx.msk [tilespmem:v2+s2+$0x0], $0xffff;
	_ =	sdelay $0x3  }
0x194: {  	s25 =	simm.s32 $0x80;
	s24 =	simm.s32 $0x400  }
.LBB2_15:
0x195: {  	p0 =	sne.s32 s24, $0x1E00;
	v2 =	vld [tilespmem:s25+$0x1B6A0];
	[tilespmem:s23+$0x1C700] =	vst v1  }
0x196: {  	v0 =	vld.idx.msk [tilespmem:v0+s2+$0x0], $0xffff;
	_ =	sdelay $0x5  }
0x197: {  	v1 =	vld [tilespmem:s25+$0x1B6B0];
	[tilespmem:s23+$0x1C710] =	vst v0;
	s23 =	smov.u32 s25  }
0x198: {  	v0 =	vld.idx.msk [tilespmem:v2+s2+$0x0], $0xffff;
	_ =	sdelay $0x5  }
0x199: {  	[tilespmem:s23+$0x1C6A0] =	vst v0;
	v0 =	vld [tilespmem:s23+$0x1B6C0]  }
0x19a: {  	v1 =	vld.idx.msk [tilespmem:v1+s2+$0x0], $0xffff;
	_ =	sdelay $0x5  }
0x19b: {  	[tilespmem:s23+$0x1C6B0] =	vst v1;
	v1 =	vld [tilespmem:s23+$0x1B6D0]  }
0x19c: {  	v0 =	vld.idx.msk [tilespmem:v0+s2+$0x0], $0xffff;
	_ =	sdelay $0x5  }
0x19d: {  	[tilespmem:s23+$0x1C6C0] =	vst v0;
	v0 =	vld [tilespmem:s23+$0x1B6E0]  }
0x19e: {  	v1 =	vld.idx.msk [tilespmem:v1+s2+$0x0], $0xffff;
	_ =	sdelay $0x5  }
0x19f: {  	[tilespmem:s23+$0x1C6D0] =	vst v1;
	v1 =	vld [tilespmem:s23+$0x1B6F0]  }
0x1a0: {  	v0 =	vld.idx.msk [tilespmem:v0+s2+$0x0], $0xffff;
	_ =	sdelay $0x5  }
0x1a1: {  	[tilespmem:s23+$0x1C6E0] =	vst v0;
	v2 =	vld [tilespmem:s23+$0x1B700]  }
0x1a2: {  	v0 =	vld.idx.msk [tilespmem:v1+s2+$0x0], $0xffff;
	_ =	sdelay $0x5  }
0x1a3: {  	[tilespmem:s23+$0x1C6F0] =	vst v0;
	v0 =	vld [tilespmem:s23+$0x1B710]  }
0x1a4: {  	v1 =	vld.idx.msk [tilespmem:v2+s2+$0x0], $0xffff  }
.Ltmp6:
0x1a5: {  	(pc) =	sbr.rel @p0 .LBB2_15-.Ltmp6, $2  }
0x1a6: {  	_ =	sdelay $0x2  }
0x1a7: {  	s25 =	sshra.s32 s24, $0x2;
	s24 =	sadd.s32 $0x200, s24  }
0x1a8: {  	_ =	sdelay $0x1  }
0x1a9: {  	v2 =	vld [tilespmem:s25+$0x1B6A0]  }
0x1aa: {  	[tilespmem:s23+$0x1C700] =	vst v1  }
0x1ab: {  	v0 =	vld.idx.msk [tilespmem:v0+s2+$0x0], $0xffff;
	_ =	sdelay $0x3  }
0x1ac: {  	v1 =	vld [tilespmem:s25+$0x1B6B0]  }
0x1ad: {  	[tilespmem:s23+$0x1C710] =	vst v0  }
0x1ae: {  	v0 =	vld.idx.msk [tilespmem:v2+s2+$0x0], $0xffff;
	_ =	sdelay $0x4  }
0x1af: {  	[tilespmem:s25+$0x1C6A0] =	vst v0;
	v0 =	vld [tilespmem:s25+$0x1B6C0]  }
0x1b0: {  	v1 =	vld.idx.msk [tilespmem:v1+s2+$0x0], $0xffff;
	_ =	sdelay $0x4  }
0x1b1: {  	[tilespmem:s25+$0x1C6B0] =	vst v1;
	v1 =	vld [tilespmem:s25+$0x1B6D0];
	_ =	sdelay $0x1  }
0x1b2: {  	v0 =	vld.idx.msk [tilespmem:v0+s2+$0x0], $0xffff;
	_ =	sdelay $0x4  }
0x1b3: {  	[tilespmem:s25+$0x1C6C0] =	vst v0;
	v0 =	vld [tilespmem:s25+$0x1B6E0]  }
0x1b4: {  	v1 =	vld.idx.msk [tilespmem:v1+s2+$0x0], $0xffff;
	_ =	sdelay $0x4  }
0x1b5: {  	[tilespmem:s25+$0x1C6D0] =	vst v1;
	v1 =	vld [tilespmem:s25+$0x1B6F0];
	_ =	sdelay $0x1  }
0x1b6: {  	v0 =	vld.idx.msk [tilespmem:v0+s2+$0x0], $0xffff;
	_ =	sdelay $0x4  }
0x1b7: {  	[tilespmem:s25+$0x1C6E0] =	vst v0;
	v0 =	vld [tilespmem:s25+$0x1B700]  }
0x1b8: {  	v1 =	vld.idx.msk [tilespmem:v1+s2+$0x0], $0xffff;
	_ =	sdelay $0x4  }
0x1b9: {  	[tilespmem:s25+$0x1C6F0] =	vst v1;
	v1 =	vld [tilespmem:s25+$0x1B710];
	_ =	sdelay $0x1  }
0x1ba: {  	v0 =	vld.idx.msk [tilespmem:v0+s2+$0x0], $0xffff;
	_ =	sdelay $0x4  }
0x1bb: {  	[tilespmem:s25+$0x1C700] =	vst v0  }
0x1bc: {  	v0 =	vld.idx.msk [tilespmem:v1+s2+$0x0], $0xffff;
	_ =	sdelay $0x4  }
0x1bd: {  	s31 =	sadd.s32 s22, s12;
	s24 =	simm.s32 $0x0;
	[tilespmem:s25+$0x1C710] =	vst v0  }
0x1be: {  	[hbm4b:s31+s24] =	stream.linear.scatter [tilespmem:s17], [sflag:$0x1], $0x800, $0x38;
	[tilespmem:$0x1D6A0] =	vst v63  }
0x1bf: {  	_ =	swait.ge [sflag:s19], $0x800  }
0x1c0: {  	[sflag:s19] =	ssyncset.done $0x0  }
0x1c1: {  	s23 =	simm.s32 $0x0;
	[sflag:s19] =	ssyncadd.s32 $0xFFFFF800  }
0x1c2: {  	v0 =	vld [tilespmem:s23+$0x1BEA0];
	_ =	sdelay $0x5  }
0x1c3: {  	v1 =	vld [tilespmem:s23+$0x1BEB0];
	_ =	sdelay $0x1  }
0x1c4: {  	v0 =	vld.idx.msk [tilespmem:v0+s2+$0x0], $0xffff;
	_ =	sdelay $0x4  }
0x1c5: {  	[tilespmem:s23+$0x1CEA0] =	vst v0;
	v0 =	vld [tilespmem:s23+$0x1BEC0]  }
0x1c6: {  	v1 =	vld.idx.msk [tilespmem:v1+s2+$0x0], $0xffff;
	_ =	sdelay $0x4  }
0x1c7: {  	[tilespmem:s23+$0x1CEB0] =	vst v1;
	v1 =	vld [tilespmem:s23+$0x1BED0];
	_ =	sdelay $0x1  }
0x1c8: {  	v0 =	vld.idx.msk [tilespmem:v0+s2+$0x0], $0xffff;
	_ =	sdelay $0x4  }
0x1c9: {  	[tilespmem:s23+$0x1CEC0] =	vst v0;
	v0 =	vld [tilespmem:s23+$0x1BEE0]  }
0x1ca: {  	v1 =	vld.idx.msk [tilespmem:v1+s2+$0x0], $0xffff;
	_ =	sdelay $0x4  }
0x1cb: {  	[tilespmem:s23+$0x1CED0] =	vst v1;
	v1 =	vld [tilespmem:s23+$0x1BEF0];
	_ =	sdelay $0x1  }
0x1cc: {  	v0 =	vld.idx.msk [tilespmem:v0+s2+$0x0], $0xffff;
	_ =	sdelay $0x4  }
0x1cd: {  	v2 =	vld [tilespmem:s23+$0x1BF00];
	[tilespmem:s23+$0x1CEE0] =	vst v0  }
0x1ce: {  	v0 =	vld.idx.msk [tilespmem:v1+s2+$0x0], $0xffff;
	_ =	sdelay $0x4  }
0x1cf: {  	[tilespmem:s23+$0x1CEF0] =	vst v0;
	v0 =	vld [tilespmem:s23+$0x1BF10];
	_ =	sdelay $0x1  }
0x1d0: {  	v1 =	vld.idx.msk [tilespmem:v2+s2+$0x0], $0xffff;
	_ =	sdelay $0x3  }
0x1d1: {  	s25 =	simm.s32 $0x80;
	s24 =	simm.s32 $0x400  }
.LBB2_17:
0x1d2: {  	p0 =	sne.s32 s24, $0x1E00;
	v2 =	vld [tilespmem:s25+$0x1BEA0];
	[tilespmem:s23+$0x1CF00] =	vst v1  }
0x1d3: {  	v0 =	vld.idx.msk [tilespmem:v0+s2+$0x0], $0xffff;
	_ =	sdelay $0x5  }
0x1d4: {  	v1 =	vld [tilespmem:s25+$0x1BEB0];
	[tilespmem:s23+$0x1CF10] =	vst v0;
	s23 =	smov.u32 s25  }
0x1d5: {  	v0 =	vld.idx.msk [tilespmem:v2+s2+$0x0], $0xffff;
	_ =	sdelay $0x5  }
0x1d6: {  	[tilespmem:s23+$0x1CEA0] =	vst v0;
	v0 =	vld [tilespmem:s23+$0x1BEC0]  }
0x1d7: {  	v1 =	vld.idx.msk [tilespmem:v1+s2+$0x0], $0xffff;
	_ =	sdelay $0x5  }
0x1d8: {  	[tilespmem:s23+$0x1CEB0] =	vst v1;
	v1 =	vld [tilespmem:s23+$0x1BED0]  }
0x1d9: {  	v0 =	vld.idx.msk [tilespmem:v0+s2+$0x0], $0xffff;
	_ =	sdelay $0x5  }
0x1da: {  	[tilespmem:s23+$0x1CEC0] =	vst v0;
	v0 =	vld [tilespmem:s23+$0x1BEE0]  }
0x1db: {  	v1 =	vld.idx.msk [tilespmem:v1+s2+$0x0], $0xffff;
	_ =	sdelay $0x5  }
0x1dc: {  	[tilespmem:s23+$0x1CED0] =	vst v1;
	v1 =	vld [tilespmem:s23+$0x1BEF0]  }
0x1dd: {  	v0 =	vld.idx.msk [tilespmem:v0+s2+$0x0], $0xffff;
	_ =	sdelay $0x5  }
0x1de: {  	[tilespmem:s23+$0x1CEE0] =	vst v0;
	v2 =	vld [tilespmem:s23+$0x1BF00]  }
0x1df: {  	v0 =	vld.idx.msk [tilespmem:v1+s2+$0x0], $0xffff;
	_ =	sdelay $0x5  }
0x1e0: {  	[tilespmem:s23+$0x1CEF0] =	vst v0;
	v0 =	vld [tilespmem:s23+$0x1BF10]  }
0x1e1: {  	v1 =	vld.idx.msk [tilespmem:v2+s2+$0x0], $0xffff  }
.Ltmp7:
0x1e2: {  	(pc) =	sbr.rel @p0 .LBB2_17-.Ltmp7, $2  }
0x1e3: {  	_ =	sdelay $0x2  }
0x1e4: {  	s25 =	sshra.s32 s24, $0x2;
	s24 =	sadd.s32 $0x200, s24  }
0x1e5: {  	_ =	sdelay $0x1  }
0x1e6: {  	v2 =	vld [tilespmem:s25+$0x1BEA0]  }
0x1e7: {  	[tilespmem:s23+$0x1CF00] =	vst v1  }
0x1e8: {  	v0 =	vld.idx.msk [tilespmem:v0+s2+$0x0], $0xffff;
	_ =	sdelay $0x3  }
0x1e9: {  	v1 =	vld [tilespmem:s25+$0x1BEB0]  }
0x1ea: {  	[tilespmem:s23+$0x1CF10] =	vst v0  }
0x1eb: {  	v0 =	vld.idx.msk [tilespmem:v2+s2+$0x0], $0xffff;
	_ =	sdelay $0x3  }
0x1ec: {  	v58 =	vld [tilespmem:s25+$0x1BEC0]  }
0x1ed: {  	[tilespmem:s25+$0x1CEA0] =	vst v0  }
0x1ee: {  	v1 =	vld.idx.msk [tilespmem:v1+s2+$0x0], $0xffff;
	_ =	sdelay $0x3  }
0x1ef: {  	v59 =	vld [tilespmem:s25+$0x1BED0]  }
0x1f0: {  	[tilespmem:s25+$0x1CEB0] =	vst v1  }
0x1f1: {  	v0 =	vld.idx.msk [tilespmem:v58+s2+$0x0], $0xffff;
	_ =	sdelay $0x3  }
0x1f2: {  	v60 =	vld [tilespmem:s25+$0x1BEE0]  }
0x1f3: {  	[tilespmem:s25+$0x1CEC0] =	vst v0  }
0x1f4: {  	v1 =	vld.idx.msk [tilespmem:v59+s2+$0x0], $0xffff;
	_ =	sdelay $0x3  }
0x1f5: {  	v61 =	vld [tilespmem:s25+$0x1BEF0]  }
0x1f6: {  	[tilespmem:s25+$0x1CED0] =	vst v1  }
0x1f7: {  	v0 =	vld.idx.msk [tilespmem:v60+s2+$0x0], $0xffff;
	_ =	sdelay $0x3  }
0x1f8: {  	v62 =	vld [tilespmem:s25+$0x1BF00]  }
0x1f9: {  	[tilespmem:s25+$0x1CEE0] =	vst v0  }
0x1fa: {  	v1 =	vld.idx.msk [tilespmem:v61+s2+$0x0], $0xffff;
	_ =	sdelay $0x3  }
0x1fb: {  	v63 =	vld [tilespmem:s25+$0x1BF10]  }
0x1fc: {  	[tilespmem:s25+$0x1CEF0] =	vst v1  }
0x1fd: {  	v0 =	vld.idx.msk [tilespmem:v62+s2+$0x0], $0xffff;
	_ =	sdelay $0x4  }
0x1fe: {  	[tilespmem:s25+$0x1CF00] =	vst v0  }
0x1ff: {  	v0 =	vld.idx.msk [tilespmem:v63+s2+$0x0], $0xffff;
	_ =	sdelay $0x4  }
0x200: {  	s22 =	sadd.s32 s22, s13;
	s21 =	sadd.s32 $0x1, s21;
	[tilespmem:s25+$0x1CF10] =	vst v0  }
0x201: {  	[hbm4b:s22+s2] =	stream.linear.scatter [tilespmem:s18], [sflag:$0x1], $0x800, $0x38;
	[tilespmem:$0x1D6A0] =	vst v63  }
0x202: {  	p0 =	sne.s32 s21, $0xD;
	_ =	swait.ge [sflag:s19], $0x800  }
.Ltmp8:
0x203: {  	[sflag:s19] =	ssyncset.done $0x0;
	(pc) =	sbr.rel @p0 .LBB2_2-.Ltmp8, $4  }
0x204: {  	[sflag:s19] =	ssyncadd.s32 $0xFFFFF800  }
0x205: {  	_ =	swait.ge [sflag:s19], $0x800  }
0x206: {  	[sflag:s19] =	ssyncset.done $0x0  }
0x207: {  	[sflag:s19] =	ssyncadd.s32 $0xFFFFF800  }
0x208: {  	s20 =	sadd.s32 $0x1, s20  }
0x209: {  	p0 =	sne.s32 s20, s14  }
.Ltmp9:
0x20a: {  	_ = 	snop;
	(pc) =	sbr.rel @p0 .LBB2_1-.Ltmp9, $1  }
0x20b: {  	_ =	sdelay $0x3  }
0x20c: {  	_ =	sfence.sel $0x180000  }
0x20d: {  	[bflag:$0x0] =	sbarrier.arrive $0xFFFF  }
0x20e: {  	p0 =	sne.s32 s3, $0x0;
	_ =	strace $0x90000047  }
0x20f: {  	s0 =	sadd.s32 @!p0 $0x100000, s0;
	[bflag:$0x2] =	sbarrier.arrive $0xFFFF  }
0x210: {  	[sflag:s0] =	ssyncadd.tile.s32 @!p0 $0x1;
	_ =	shalt  }
.Lfunc_end2:
_tile_overlayer_lowered:
.L_overlay_start_2:
0x211: {  	(tag) =	ssettag $0x2  }
0x212: {  	s0 =	rddreg [dreg:$0x0];
	s2 =	stileid.u32  }
0x213: {  	s1 =	rddreg [dreg:$0x1];
	p0 =	sne.s32 s2, $0x0  }
0x214: {  	s3 =	rddreg [dreg:$0x2];
	[bflag:$0x3] =	sbarrier.arrive $0xFFFF;
	s2 =	simm.s32 @!p0 $0x1C02  }
0x215: {  	[timem:s3], [sflag:s2] =	dma.local @!p0 [hbm:s0], s1  }
0x216: {  	s0 =	simm.s32 @!p0 $0x2  }
0x217: {  	_ =	swait.ge @!p0 [sflag:s0], s1  }
0x218: {  	s1 =	ssub.s32 @!p0 $0x0, s1;
	[sflag:s0] =	ssyncset.done @!p0 $0x0  }
0x219: {  	[sflag:s0] =	ssyncadd.s32 @!p0 s1  }
0x21a: {  	[bflag:$0x3] =	sbarrier.arrive $0xFFFF  }
0x21b: {  	_ =	shalt  }

</sc_bundles>
